<compile_context>
chip_gen: v7x
topology: tpu7x:2x2x1
jax: 0.10.2.dev20260603
libtpu: 0.0.44.dev20260713+nightly
codegen_flags: <defaults>
</compile_context>

<pallas_src>
import functools

import jax
import jax.numpy as jnp
from jax import lax
from jax.experimental import pallas as pl
from jax.experimental.pallas import tpu as pltpu
from jax.experimental.pallas import tpu_sc as plsc

B, N, C = 32, 1024, 96
NUM_PROMPT = 10
NUM_HEADS = 8
HD = C // NUM_HEADS
K = 256
NKEYS = N + NUM_PROMPT
PPAD = 16
NPAD = N + PPAD
CPAD = 128

_NEG = -1e30


def _row(shape):
    return pl.BlockSpec(shape, lambda b: tuple(0 for _ in shape))


def _attn_body(x_ref, prm_ref, m1_ref, v1_ref, mp_ref, vp_ref, ln1g_ref,
               ln1b_ref, wq_ref, wk_ref, wv_ref, wproj_ref, bproj_ref,
               h1_ref, xpad_ref):
    xq = x_ref[0]
    xpad_ref[0] = jnp.concatenate(
        [xq, jnp.zeros((N, CPAD - C), jnp.float32)], axis=1)
    xp = jnp.concatenate([xq, prm_ref[...]], axis=0)
    mu = jnp.concatenate([m1_ref[0], mp_ref[...]], axis=0)
    va = jnp.concatenate([v1_ref[0], vp_ref[...]], axis=0)
    ln1 = (xp - mu) / jnp.sqrt(va + 1e-5) * ln1g_ref[...] + ln1b_ref[...]
    lnq = ln1[0:N]

    qf = jnp.dot(lnq, wq_ref[...],
                 preferred_element_type=jnp.float32) * (HD ** -0.5)
    kf = jnp.dot(ln1, wk_ref[...], preferred_element_type=jnp.float32)
    vf = jnp.dot(ln1, wv_ref[...], preferred_element_type=jnp.float32)

    colmask = lax.broadcasted_iota(jnp.int32, (1, NPAD), 1) < NKEYS

    outs = []
    for h in range(NUM_HEADS):
        qh = qf[:, h * HD:(h + 1) * HD]
        kh = kf[:, h * HD:(h + 1) * HD]
        vh = vf[:, h * HD:(h + 1) * HD]
        logits = lax.dot_general(qh, kh, (((1,), (1,)), ((), ())),
                                 preferred_element_type=jnp.float32)
        logits = jnp.where(colmask, logits, _NEG)
        mx = jnp.max(logits, axis=1, keepdims=True)
        e = jnp.exp(logits - mx)
        s = jnp.sum(e, axis=1, keepdims=True)
        probs = e / s
        oh = jnp.dot(probs, vh, preferred_element_type=jnp.float32)
        outs.append(oh.astype(jnp.bfloat16).astype(jnp.float32))
    o = jnp.concatenate(outs, axis=1)
    h1_ref[0] = xq + (jnp.dot(o, wproj_ref[...],
                              preferred_element_type=jnp.float32)
                      + bproj_ref[...])


def _attn_call(x, prm16, m1d, v1d, m1p, v1p, ln1g, ln1b, w_q, w_k, w_v,
               w_proj, bproj):
    return pl.pallas_call(
        _attn_body,
        grid=(B,),
        in_specs=[
            pl.BlockSpec((1, N, C), lambda b: (b, 0, 0)),
            _row((PPAD, C)),
            pl.BlockSpec((1, N, 1), lambda b: (b, 0, 0)),
            pl.BlockSpec((1, N, 1), lambda b: (b, 0, 0)),
            _row((PPAD, 1)), _row((PPAD, 1)),
            _row((1, C)), _row((1, C)),
            _row((C, C)), _row((C, C)), _row((C, C)), _row((C, C)),
            _row((1, C)),
        ],
        out_specs=[pl.BlockSpec((1, N, C), lambda b: (b, 0, 0)),
                   pl.BlockSpec((1, N, CPAD), lambda b: (b, 0, 0))],
        out_shape=[jax.ShapeDtypeStruct((B, N, C), jnp.float32),
                   jax.ShapeDtypeStruct((B, N, CPAD), jnp.float32)],
        compiler_params=pltpu.CompilerParams(
            dimension_semantics=("arbitrary",)),
    )(x, prm16, m1d, v1d, m1p, v1p, ln1g, ln1b, w_q, w_k, w_v, w_proj, bproj)


def _select_body(h1_ref, m2_ref, v2_ref, ln2g_ref, ln2b_ref, wfc_ref,
                 bfc_ref, wscore_ref, idx_ref):
    b = pl.program_id(0)
    h1 = h1_ref[0]
    ln2 = ((h1 - m2_ref[0]) / jnp.sqrt(v2_ref[0] + 1e-5) * ln2g_ref[...]
           + ln2b_ref[...])
    h2 = h1 + (jnp.dot(ln2, wfc_ref[...],
                       preferred_element_type=jnp.float32) + bfc_ref[...])
    s_col = jnp.dot(h2, wscore_ref[...],
                    preferred_element_type=jnp.float32)

    hi = lax.Precision.HIGHEST
    ii = lax.broadcasted_iota(jnp.int32, (N, N), 0)
    jj = lax.broadcasted_iota(jnp.int32, (N, N), 1)
    ident = (ii == jj).astype(jnp.float32)
    s_row = lax.dot_general(s_col, ident, (((0,), (0,)), ((), ())),
                            preferred_element_type=jnp.float32,
                            precision=hi)
    beats = (s_row > s_col) | ((s_row == s_col) & (jj < ii))
    rank = jnp.dot(beats.astype(jnp.float32), jnp.ones((N, 1), jnp.float32),
                   preferred_element_type=jnp.float32, precision=hi)
    sel = (rank < float(K)).astype(jnp.float32)
    lts = (jj < ii).astype(jnp.float32)
    pos = jnp.dot(lts, sel, preferred_element_type=jnp.float32,
                  precision=hi)
    rr = lax.broadcasted_iota(jnp.int32, (N, K), 1)
    onehot = ((rr == pos.astype(jnp.int32)) & (sel > 0.5)).astype(jnp.float32)
    jcol = lax.broadcasted_iota(jnp.int32, (N, 1), 0).astype(jnp.float32)
    idx_row = lax.dot_general(jcol, onehot, (((0,), (0,)), ((), ())),
                              preferred_element_type=jnp.float32,
                              precision=hi)
    idx_ref[0] = idx_row.astype(jnp.int32) + b * N


def _select_call(h1, m2, v2, ln2g, ln2b, w_fc, bfc, w_score):
    return pl.pallas_call(
        _select_body,
        grid=(B,),
        in_specs=[
            pl.BlockSpec((1, N, C), lambda b: (b, 0, 0)),
            pl.BlockSpec((1, N, 1), lambda b: (b, 0, 0)),
            pl.BlockSpec((1, N, 1), lambda b: (b, 0, 0)),
            _row((1, C)), _row((1, C)), _row((C, C)), _row((1, C)),
            _row((C, 1)),
        ],
        out_specs=pl.BlockSpec((1, 1, K), lambda b: (b, 0, 0)),
        out_shape=jax.ShapeDtypeStruct((B, 1, K), jnp.int32),
        compiler_params=pltpu.CompilerParams(
            dimension_semantics=("arbitrary",)),
    )(h1, m2, v2, ln2g, ln2b, w_fc, bfc, w_score)


_NC, _NS = 2, 16
_NW = _NC * _NS
ROWS_W = (B * K) // _NW
CHUNK = 128
NCHUNK = ROWS_W // CHUNK


@functools.cache
def _make_sc_gather():
    @functools.partial(
        pl.kernel,
        out_type=jax.ShapeDtypeStruct((B * K, CPAD), jnp.float32),
        mesh=plsc.VectorSubcoreMesh(core_axis_name="c", subcore_axis_name="s",
                                    num_cores=_NC, num_subcores=_NS),
        scratch_types=[
            pltpu.VMEM((NCHUNK, CHUNK), jnp.int32),
            pltpu.VMEM((ROWS_W, CPAD), jnp.float32),
            pltpu.SemaphoreType.DMA,
        ],
    )
    def _sc_gather(x_hbm, idx_hbm, out_hbm, idx_v, rows_v, sem):
        wid = lax.axis_index("s") * _NC + lax.axis_index("c")
        base = wid * ROWS_W
        pltpu.sync_copy(idx_hbm.at[wid], idx_v)
        copies = [
            pltpu.async_copy(x_hbm.at[idx_v.at[j]],
                             rows_v.at[pl.ds(j * CHUNK, CHUNK)], sem)
            for j in range(NCHUNK)
        ]
        for c in copies:
            c.wait()
        pltpu.sync_copy(rows_v, out_hbm.at[pl.ds(base, ROWS_W)])

    return _sc_gather


def kernel(x, prompt, ln1_g, ln1_b, w_qkv, w_proj, b_proj, ln2_g, ln2_b,
           w_fc, b_fc, w_score, b_score):
    xp_ref_order = jnp.concatenate(
        [jnp.broadcast_to(prompt, (B, NUM_PROMPT, C)), x], axis=1)
    m1 = jnp.mean(xp_ref_order, axis=-1, keepdims=True)
    v1 = jnp.var(xp_ref_order, axis=-1, keepdims=True)
    m1d, v1d = m1[:, NUM_PROMPT:], v1[:, NUM_PROMPT:]
    pad = jnp.zeros((PPAD - NUM_PROMPT, 1), jnp.float32)
    m1p = jnp.concatenate([m1[0, :NUM_PROMPT], pad], axis=0)
    v1p = jnp.concatenate([v1[0, :NUM_PROMPT], pad + 1.0], axis=0)
    prm16 = jnp.concatenate(
        [prompt[0], jnp.zeros((PPAD - NUM_PROMPT, C), jnp.float32)], axis=0)

    h1, x_pad = _attn_call(x, prm16, m1d, v1d, m1p, v1p, ln1_g[None],
                           ln1_b[None], w_qkv[:, :C], w_qkv[:, C:2 * C],
                           w_qkv[:, 2 * C:], w_proj, b_proj[None])

    m2 = jnp.mean(h1, axis=-1, keepdims=True)
    v2 = jnp.var(h1, axis=-1, keepdims=True)
    idx = _select_call(h1, m2, v2, ln2_g[None], ln2_b[None], w_fc,
                       b_fc[None], w_score)

    out = _make_sc_gather()(x_pad.reshape(B * N, CPAD),
                            idx.reshape(B, NCHUNK, CHUNK))
    return out[:, :C].reshape(B, K, C)

# --- scband reference (transcript-rebuilt; emitter-appended) ---
"""Pipeline reference for scband-selection-net-37692632990275 (READ-ONLY COPY).

The authoritative reference and input builder live on the scoring server;
editing this copy changes nothing except your own understanding.
"""

import jax, jax.numpy as jnp
import numpy as np

B, N, C = 32, 1024, 96
NUM_PROMPT = 10
NUM_HEADS = 8
K = 256


def setup_inputs(seed: int = 0) -> dict:
    key = jax.random.key(seed)
    ks = jax.random.split(key, 8)
    s = 1.0 / np.sqrt(C)
    inp = {
        "x": jax.random.normal(ks[0], (B, N, C), dtype=jnp.float32),
        "prompt": jax.random.normal(ks[1], (1, NUM_PROMPT, C), dtype=jnp.float32) * 0.02,
        "ln1_g": jnp.ones((C,), jnp.float32),
        "ln1_b": jnp.zeros((C,), jnp.float32),
        "w_qkv": jax.random.normal(ks[2], (C, 3 * C), dtype=jnp.float32) * s,
        "w_proj": jax.random.normal(ks[3], (C, C), dtype=jnp.float32) * s,
        "b_proj": jnp.zeros((C,), jnp.float32),
        "ln2_g": jnp.ones((C,), jnp.float32),
        "ln2_b": jnp.zeros((C,), jnp.float32),
        "w_fc": jax.random.normal(ks[4], (C, C), dtype=jnp.float32) * s,
        "b_fc": jnp.zeros((C,), jnp.float32),
        "w_score": jax.random.normal(ks[5], (C, 1), dtype=jnp.float32) * s,
        "b_score": jnp.zeros((1,), jnp.float32),
    }
    return inp


def _ln(x, g, b):
    m = jnp.mean(x, axis=-1, keepdims=True)
    v = jnp.var(x, axis=-1, keepdims=True)
    return (x - m) / jnp.sqrt(v + 1e-5) * g + b


def _attn(x, w_qkv, w_proj, b_proj):
    b_, n_, c_ = x.shape
    hd = c_ // NUM_HEADS
    qkv = x @ w_qkv
    qkv = qkv.reshape(b_, n_, 3, NUM_HEADS, hd).transpose(2, 0, 3, 1, 4)
    q, k, v = qkv[0], qkv[1], qkv[2]
    q = q * (hd ** -0.5)
    a = jax.nn.softmax(q @ jnp.swapaxes(k, -2, -1), axis=-1)
    o = (a @ v).transpose(0, 2, 1, 3).reshape(b_, n_, c_)
    return o @ w_proj + b_proj


def reference(x, prompt, ln1_g, ln1_b, w_qkv, w_proj, b_proj, ln2_g, ln2_b, w_fc, b_fc, w_score, b_score):
    b_ = x.shape[0]
    # incorporate prompt tokens (PromptTransformer.incorporate_prompt, eval mode so no dropout)
    xp = jnp.concatenate([jnp.broadcast_to(prompt, (b_, NUM_PROMPT, x.shape[2])), x], axis=1)
    h = xp + _attn(_ln(xp, ln1_g, ln1_b), w_qkv, w_proj, b_proj)
    h = h + (_ln(h, ln2_g, ln2_b) @ w_fc + b_fc)
    scores = (h[:, NUM_PROMPT:, :] @ w_score + b_score)[..., 0]  # [B, N]
    # min_max_norm
    smin = jnp.min(scores, axis=-1, keepdims=True)
    smax = jnp.max(scores, axis=-1, keepdims=True)
    scores = (scores - smin) / (smax - smin + 1e-5)
    # HardTopK: top-k indices, sorted ascending (eval path)
    _, idx = jax.lax.top_k(scores, K)
    idx = jnp.sort(idx, axis=-1)
    # extract_patches_from_indices: batched gather along token dim
    patches = jnp.take_along_axis(x, idx[:, :, None], axis=1)  # [B, K, C]
    return patches

if __name__ == "__main__":
    import jax
    _d = setup_inputs()
    print(jax.jit(kernel)(*tuple(_d.values())))

</pallas_src>

<mosaic_0001>
#map = affine_map<(d0, d1) -> (0, 0)>
#map1 = affine_map<(d0, d1) -> (0, 0, 0)>
module attributes {stable_mosaic.version = 14 : i64} {
  func.func @_sc_gather(%arg0: i32, %arg1: i32, %arg2: memref<32768x128xf32, #tpu.memory_space<hbm>>, %arg3: memref<32x2x128xi32, #tpu.memory_space<hbm>>, %arg4: memref<8192x128xf32, #tpu.memory_space<hbm>>, %arg5: memref<2x128xi32, #tpu.memory_space<vmem>>, %arg6: memref<256x128xf32, #tpu.memory_space<vmem>>, %arg7: memref<!tpu.dma_semaphore, #tpu.memory_space<semaphore_mem>>) attributes {dimension_semantics = [#tpu.dimension_semantics<core_parallel>, #tpu.dimension_semantics<subcore_parallel>], iteration_bounds = array<i64: 2, 16>, scalar_prefetch = 0 : i64, scratch_operands = 3 : i64, tpu.core_type = #tpu.core_type<sc_vector_subcore>, window_params = [{transform_indices = #map}, {transform_indices = #map1}, {transform_indices = #map}]} {
    %mul3A = arith.constant 2 : i32
    %mul3A_0 = arith.muli %arg1, %mul3A : i32
    %add3A = arith.addi %mul3A_0, %arg0 : i32
    %mul3A_1 = arith.constant 256 : i32
    %mul3A_2 = arith.muli %add3A, %mul3A_1 : i32
    "tpu.region"() ({
      %run_scoped3A = tpu.sem_alloc : memref<!tpu.dma_semaphore, #tpu.memory_space<semaphore_mem>>
      %dma_start3A_41 = arith.constant 0 : i32
      %dma_start3A_42 = arith.constant 0 : i32
      %dma_start3A_43 = tpu.memref_slice %arg3[%add3A, %dma_start3A_41, %dma_start3A_42] : memref<32x2x128xi32, #tpu.memory_space<hbm>> -> memref<1x2x128xi32, #tpu.memory_space<hbm>>
      %dma_start3A_44 = tpu.memref_squeeze %dma_start3A_43 : memref<1x2x128xi32, #tpu.memory_space<hbm>> -> memref<2x128xi32, #tpu.memory_space<hbm>>
      %dma_start3A_45 = arith.constant 0 : i32
      %dma_start3A_46 = arith.constant 0 : i32
      %dma_start3A_47 = tpu.memref_slice %arg3[%add3A, %dma_start3A_45, %dma_start3A_46] : memref<32x2x128xi32, #tpu.memory_space<hbm>> -> memref<1x2x128xi32, #tpu.memory_space<hbm>>
      %dma_start3A_48 = tpu.memref_squeeze %dma_start3A_47 : memref<1x2x128xi32, #tpu.memory_space<hbm>> -> memref<2x128xi32, #tpu.memory_space<hbm>>
      tpu.enqueue_dma source(%dma_start3A_48 : memref<2x128xi32, #tpu.memory_space<hbm>>) target(%arg5 : memref<2x128xi32, #tpu.memory_space<vmem>>) target_semaphore(%run_scoped3A : memref<!tpu.dma_semaphore, #tpu.memory_space<semaphore_mem>>)
      %dma_wait3A_49 = arith.constant 0 : i32
      %dma_wait3A_50 = arith.constant 0 : i32
      %dma_wait3A_51 = tpu.memref_slice %arg3[%add3A, %dma_wait3A_49, %dma_wait3A_50] : memref<32x2x128xi32, #tpu.memory_space<hbm>> -> memref<1x2x128xi32, #tpu.memory_space<hbm>>
      %dma_wait3A_52 = tpu.memref_squeeze %dma_wait3A_51 : memref<1x2x128xi32, #tpu.memory_space<hbm>> -> memref<2x128xi32, #tpu.memory_space<hbm>>
      %dma_wait3A_53 = arith.constant 0 : i32
      %dma_wait3A_54 = arith.constant 0 : i32
      %dma_wait3A_55 = tpu.memref_slice %arg3[%add3A, %dma_wait3A_53, %dma_wait3A_54] : memref<32x2x128xi32, #tpu.memory_space<hbm>> -> memref<1x2x128xi32, #tpu.memory_space<hbm>>
      %dma_wait3A_56 = tpu.memref_squeeze %dma_wait3A_55 : memref<1x2x128xi32, #tpu.memory_space<hbm>> -> memref<2x128xi32, #tpu.memory_space<hbm>>
      tpu.wait_dma2 semaphore(%run_scoped3A : memref<!tpu.dma_semaphore, #tpu.memory_space<semaphore_mem>>) src(%dma_wait3A_56 : memref<2x128xi32, #tpu.memory_space<hbm>>) dst(%arg5 : memref<2x128xi32, #tpu.memory_space<vmem>>)
      tpu.yield
    }) : () -> ()
    %dma_start3A = arith.constant 0 : i32
    %dma_start3A_3 = arith.constant 0 : i32
    %dma_start3A_4 = arith.constant 0 : i32
    %dma_start3A_5 = tpu.memref_slice %arg6[%dma_start3A_3, %dma_start3A_4] : memref<256x128xf32, #tpu.memory_space<vmem>> -> memref<128x128xf32, #tpu.memory_space<vmem>>
    %dma_start3A_6 = arith.constant 0 : i32
    %dma_start3A_7 = tpu.memref_slice %arg5[%dma_start3A, %dma_start3A_6] : memref<2x128xi32, #tpu.memory_space<vmem>> -> memref<1x128xi32, #tpu.memory_space<vmem>>
    %dma_start3A_8 = tpu.memref_squeeze %dma_start3A_7 : memref<1x128xi32, #tpu.memory_space<vmem>> -> memref<128xi32, #tpu.memory_space<vmem>>
    %dma_start3A_9 = arith.constant 0 : i32
    %dma_start3A_10 = arith.constant 0 : i32
    %dma_start3A_11 = tpu.memref_slice %arg2[%dma_start3A_9, %dma_start3A_10] : memref<32768x128xf32, #tpu.memory_space<hbm>> -> memref<32768x128xf32, #tpu.memory_space<hbm>>
    tpu.enqueue_indirect_dma source(%dma_start3A_11 : memref<32768x128xf32, #tpu.memory_space<hbm>>) target(%dma_start3A_5 : memref<128x128xf32, #tpu.memory_space<vmem>>) offsets(%dma_start3A_8 : memref<128xi32, #tpu.memory_space<vmem>>) semaphore(%arg7 : memref<!tpu.dma_semaphore, #tpu.memory_space<semaphore_mem>>)
    %dma_start3A_12 = arith.constant 1 : i32
    %dma_start3A_13 = arith.constant 128 : i32
    %dma_start3A_14 = arith.constant 0 : i32
    %dma_start3A_15 = tpu.memref_slice %arg6[%dma_start3A_13, %dma_start3A_14] : memref<256x128xf32, #tpu.memory_space<vmem>> -> memref<128x128xf32, #tpu.memory_space<vmem>>
    %dma_start3A_16 = arith.constant 0 : i32
    %dma_start3A_17 = tpu.memref_slice %arg5[%dma_start3A_12, %dma_start3A_16] : memref<2x128xi32, #tpu.memory_space<vmem>> -> memref<1x128xi32, #tpu.memory_space<vmem>>
    %dma_start3A_18 = tpu.memref_squeeze %dma_start3A_17 : memref<1x128xi32, #tpu.memory_space<vmem>> -> memref<128xi32, #tpu.memory_space<vmem>>
    %dma_start3A_19 = arith.constant 0 : i32
    %dma_start3A_20 = arith.constant 0 : i32
    %dma_start3A_21 = tpu.memref_slice %arg2[%dma_start3A_19, %dma_start3A_20] : memref<32768x128xf32, #tpu.memory_space<hbm>> -> memref<32768x128xf32, #tpu.memory_space<hbm>>
    tpu.enqueue_indirect_dma source(%dma_start3A_21 : memref<32768x128xf32, #tpu.memory_space<hbm>>) target(%dma_start3A_15 : memref<128x128xf32, #tpu.memory_space<vmem>>) offsets(%dma_start3A_18 : memref<128xi32, #tpu.memory_space<vmem>>) semaphore(%arg7 : memref<!tpu.dma_semaphore, #tpu.memory_space<semaphore_mem>>)
    %dma_wait3A = arith.constant 0 : i32
    %dma_wait3A_22 = arith.constant 0 : i32
    %dma_wait3A_23 = arith.constant 0 : i32
    %dma_wait3A_24 = tpu.memref_slice %arg6[%dma_wait3A_22, %dma_wait3A_23] : memref<256x128xf32, #tpu.memory_space<vmem>> -> memref<128x128xf32, #tpu.memory_space<vmem>>
    %dma_wait3A_25 = arith.constant 0 : i32
    %dma_wait3A_26 = tpu.memref_slice %arg5[%dma_wait3A, %dma_wait3A_25] : memref<2x128xi32, #tpu.memory_space<vmem>> -> memref<1x128xi32, #tpu.memory_space<vmem>>
    %dma_wait3A_27 = tpu.memref_squeeze %dma_wait3A_26 : memref<1x128xi32, #tpu.memory_space<vmem>> -> memref<128xi32, #tpu.memory_space<vmem>>
    %dma_wait3A_28 = arith.constant 0 : i32
    %dma_wait3A_29 = arith.constant 0 : i32
    %dma_wait3A_30 = tpu.memref_slice %arg2[%dma_wait3A_28, %dma_wait3A_29] : memref<32768x128xf32, #tpu.memory_space<hbm>> -> memref<32768x128xf32, #tpu.memory_space<hbm>>
    tpu.wait_indirect_dma semaphore(%arg7 : memref<!tpu.dma_semaphore, #tpu.memory_space<semaphore_mem>>) src(%dma_wait3A_30 : memref<32768x128xf32, #tpu.memory_space<hbm>>) dst(%dma_wait3A_24 : memref<128x128xf32, #tpu.memory_space<vmem>>)
    %dma_wait3A_31 = arith.constant 1 : i32
    %dma_wait3A_32 = arith.constant 128 : i32
    %dma_wait3A_33 = arith.constant 0 : i32
    %dma_wait3A_34 = tpu.memref_slice %arg6[%dma_wait3A_32, %dma_wait3A_33] : memref<256x128xf32, #tpu.memory_space<vmem>> -> memref<128x128xf32, #tpu.memory_space<vmem>>
    %dma_wait3A_35 = arith.constant 0 : i32
    %dma_wait3A_36 = tpu.memref_slice %arg5[%dma_wait3A_31, %dma_wait3A_35] : memref<2x128xi32, #tpu.memory_space<vmem>> -> memref<1x128xi32, #tpu.memory_space<vmem>>
    %dma_wait3A_37 = tpu.memref_squeeze %dma_wait3A_36 : memref<1x128xi32, #tpu.memory_space<vmem>> -> memref<128xi32, #tpu.memory_space<vmem>>
    %dma_wait3A_38 = arith.constant 0 : i32
    %dma_wait3A_39 = arith.constant 0 : i32
    %dma_wait3A_40 = tpu.memref_slice %arg2[%dma_wait3A_38, %dma_wait3A_39] : memref<32768x128xf32, #tpu.memory_space<hbm>> -> memref<32768x128xf32, #tpu.memory_space<hbm>>
    tpu.wait_indirect_dma semaphore(%arg7 : memref<!tpu.dma_semaphore, #tpu.memory_space<semaphore_mem>>) src(%dma_wait3A_40 : memref<32768x128xf32, #tpu.memory_space<hbm>>) dst(%dma_wait3A_34 : memref<128x128xf32, #tpu.memory_space<vmem>>)
    "tpu.region"() ({
      %run_scoped3A = tpu.sem_alloc : memref<!tpu.dma_semaphore, #tpu.memory_space<semaphore_mem>>
      %dma_start3A_41 = arith.constant 0 : i32
      %dma_start3A_42 = tpu.memref_slice %arg4[%mul3A_2, %dma_start3A_41] : memref<8192x128xf32, #tpu.memory_space<hbm>> -> memref<256x128xf32, #tpu.memory_space<hbm>>
      %dma_start3A_43 = arith.constant 0 : i32
      %dma_start3A_44 = tpu.memref_slice %arg4[%mul3A_2, %dma_start3A_43] : memref<8192x128xf32, #tpu.memory_space<hbm>> -> memref<256x128xf32, #tpu.memory_space<hbm>>
      tpu.enqueue_dma source(%arg6 : memref<256x128xf32, #tpu.memory_space<vmem>>) target(%dma_start3A_44 : memref<256x128xf32, #tpu.memory_space<hbm>>) target_semaphore(%run_scoped3A : memref<!tpu.dma_semaphore, #tpu.memory_space<semaphore_mem>>)
      %dma_wait3A_45 = arith.constant 0 : i32
      %dma_wait3A_46 = tpu.memref_slice %arg4[%mul3A_2, %dma_wait3A_45] : memref<8192x128xf32, #tpu.memory_space<hbm>> -> memref<256x128xf32, #tpu.memory_space<hbm>>
      %dma_wait3A_47 = arith.constant 0 : i32
      %dma_wait3A_48 = tpu.memref_slice %arg4[%mul3A_2, %dma_wait3A_47] : memref<8192x128xf32, #tpu.memory_space<hbm>> -> memref<256x128xf32, #tpu.memory_space<hbm>>
      tpu.wait_dma2 semaphore(%run_scoped3A : memref<!tpu.dma_semaphore, #tpu.memory_space<semaphore_mem>>) src(%arg6 : memref<256x128xf32, #tpu.memory_space<vmem>>) dst(%dma_wait3A_48 : memref<256x128xf32, #tpu.memory_space<hbm>>)
      tpu.yield
    }) : () -> ()
    return
  }
}

module attributes {stable_mosaic.version = 14 : i64} {
  func.func @_attn_body(%arg0: i32, %arg1: memref<1x1024x96xf32, #tpu.memory_space<vmem>>, %arg2: memref<16x96xf32, #tpu.memory_space<vmem>>, %arg3: memref<1x1024x1xf32, #tpu.memory_space<vmem>>, %arg4: memref<1x1024x1xf32, #tpu.memory_space<vmem>>, %arg5: memref<16x1xf32, #tpu.memory_space<vmem>>, %arg6: memref<16x1xf32, #tpu.memory_space<vmem>>, %arg7: memref<1x96xf32, #tpu.memory_space<vmem>>, %arg8: memref<1x96xf32, #tpu.memory_space<vmem>>, %arg9: memref<96x96xf32, #tpu.memory_space<vmem>>, %arg10: memref<96x96xf32, #tpu.memory_space<vmem>>, %arg11: memref<96x96xf32, #tpu.memory_space<vmem>>, %arg12: memref<96x96xf32, #tpu.memory_space<vmem>>, %arg13: memref<1x96xf32, #tpu.memory_space<vmem>>, %arg14: memref<1x1024x96xf32, #tpu.memory_space<vmem>>, %arg15: memref<1x1024x128xf32, #tpu.memory_space<vmem>>) attributes {dimension_semantics = [#tpu.dimension_semantics<arbitrary>], iteration_bounds = array<i64: 32>, scalar_prefetch = 0 : i64, scratch_operands = 0 : i64, tpu.core_type = #tpu.core_type<tc>, window_params = [{transform_indices = @transform_0, window_bounds = array<i64: 1, 1024, 96>}, {pipeline_mode = #tpu.pipeline_mode<synchronous>, transform_indices = @transform_1, window_bounds = array<i64: 16, 96>}, {transform_indices = @transform_2, window_bounds = array<i64: 1, 1024, 1>}, {transform_indices = @transform_3, window_bounds = array<i64: 1, 1024, 1>}, {pipeline_mode = #tpu.pipeline_mode<synchronous>, transform_indices = @transform_4, window_bounds = array<i64: 16, 1>}, {pipeline_mode = #tpu.pipeline_mode<synchronous>, transform_indices = @transform_5, window_bounds = array<i64: 16, 1>}, {pipeline_mode = #tpu.pipeline_mode<synchronous>, transform_indices = @transform_6, window_bounds = array<i64: 1, 96>}, {pipeline_mode = #tpu.pipeline_mode<synchronous>, transform_indices = @transform_7, window_bounds = array<i64: 1, 96>}, {pipeline_mode = #tpu.pipeline_mode<synchronous>, transform_indices = @transform_8, window_bounds = array<i64: 96, 96>}, {pipeline_mode = #tpu.pipeline_mode<synchronous>, transform_indices = @transform_9, window_bounds = array<i64: 96, 96>}, {pipeline_mode = #tpu.pipeline_mode<synchronous>, transform_indices = @transform_10, window_bounds = array<i64: 96, 96>}, {pipeline_mode = #tpu.pipeline_mode<synchronous>, transform_indices = @transform_11, window_bounds = array<i64: 96, 96>}, {pipeline_mode = #tpu.pipeline_mode<synchronous>, transform_indices = @transform_12, window_bounds = array<i64: 1, 96>}, {transform_indices = @transform_13, window_bounds = array<i64: 1, 1024, 96>}, {transform_indices = @transform_14, window_bounds = array<i64: 1, 1024, 128>}]} {
    %get3A = arith.constant 0 : index
    %get3A_0 = arith.constant 0 : index
    %get3A_1 = arith.constant 0 : index
    %get3A_2 = vector.load %arg1[%get3A, %get3A_0, %get3A_1] : memref<1x1024x96xf32, #tpu.memory_space<vmem>>, vector<1x1024x96xf32>
    %get3A_3 = vector.shape_cast %get3A_2 : vector<1x1024x96xf32> to vector<1024x96xf32>
    %broadcast_in_dim3A = arith.constant 0.000000e+00 : f32
    %broadcast_in_dim3A_4 = vector.broadcast %broadcast_in_dim3A : f32 to vector<1024x32xf32>
    %concatenate3A = tpu.concatenate %get3A_3, %broadcast_in_dim3A_4 in 1 : vector<1024x96xf32>, vector<1024x32xf32> -> vector<1024x128xf32>
    %swap3A = arith.constant 0 : index
    %swap3A_5 = arith.constant 0 : index
    %swap3A_6 = arith.constant 0 : index
    %swap3A_7 = vector.load %arg15[%swap3A, %swap3A_5, %swap3A_6] : memref<1x1024x128xf32, #tpu.memory_space<vmem>>, vector<1x1024x128xf32>
    %swap3A_8 = vector.shape_cast %swap3A_7 : vector<1x1024x128xf32> to vector<1024x128xf32>
    %swap3A_9 = vector.shape_cast %concatenate3A : vector<1024x128xf32> to vector<1x1024x128xf32>
    tpu.vector_store %arg15[%swap3A, %swap3A_5, %swap3A_6], %swap3A_9 {strides = array<i32>} : memref<1x1024x128xf32, #tpu.memory_space<vmem>>, vector<1x1024x128xf32>,
    %get3A_10 = arith.constant 0 : index
    %get3A_11 = arith.constant 0 : index
    %get3A_12 = vector.load %arg2[%get3A_10, %get3A_11] : memref<16x96xf32, #tpu.memory_space<vmem>>, vector<16x96xf32>
    %concatenate3A_13 = tpu.concatenate %get3A_3, %get3A_12 in 0 : vector<1024x96xf32>, vector<16x96xf32> -> vector<1040x96xf32>
    %get3A_14 = arith.constant 0 : index
    %get3A_15 = arith.constant 0 : index
    %get3A_16 = arith.constant 0 : index
    %get3A_17 = vector.load %arg3[%get3A_14, %get3A_15, %get3A_16] : memref<1x1024x1xf32, #tpu.memory_space<vmem>>, vector<1x1024x1xf32>
    %get3A_18 = vector.shape_cast %get3A_17 : vector<1x1024x1xf32> to vector<1024x1xf32>
    %get3A_19 = arith.constant 0 : index
    %get3A_20 = arith.constant 0 : index
    %get3A_21 = vector.load %arg5[%get3A_19, %get3A_20] : memref<16x1xf32, #tpu.memory_space<vmem>>, vector<16x1xf32>
    %concatenate3A_22 = tpu.concatenate %get3A_18, %get3A_21 in 0 : vector<1024x1xf32>, vector<16x1xf32> -> vector<1040x1xf32>
    %get3A_23 = arith.constant 0 : index
    %get3A_24 = arith.constant 0 : index
    %get3A_25 = arith.constant 0 : index
    %get3A_26 = vector.load %arg4[%get3A_23, %get3A_24, %get3A_25] : memref<1x1024x1xf32, #tpu.memory_space<vmem>>, vector<1x1024x1xf32>
    %get3A_27 = vector.shape_cast %get3A_26 : vector<1x1024x1xf32> to vector<1024x1xf32>
    %get3A_28 = arith.constant 0 : index
    %get3A_29 = arith.constant 0 : index
    %get3A_30 = vector.load %arg6[%get3A_28, %get3A_29] : memref<16x1xf32, #tpu.memory_space<vmem>>, vector<16x1xf32>
    %concatenate3A_31 = tpu.concatenate %get3A_27, %get3A_30 in 0 : vector<1024x1xf32>, vector<16x1xf32> -> vector<1040x1xf32>
    %sub3A = vector.broadcast %concatenate3A_22 : vector<1040x1xf32> to vector<1040x96xf32>
    %sub3A_32 = arith.subf %concatenate3A_13, %sub3A : vector<1040x96xf32>
    %add3A = arith.constant 9.99999974E-6 : f32
    %add3A_33 = vector.broadcast %add3A : f32 to vector<1040x1xf32>
    %add3A_34 = arith.addf %concatenate3A_31, %add3A_33 : vector<1040x1xf32>
    %sqrt3A = math.sqrt %add3A_34 : vector<1040x1xf32>
    %div3A = vector.broadcast %sqrt3A : vector<1040x1xf32> to vector<1040x96xf32>
    %div3A_35 = arith.divf %sub3A_32, %div3A : vector<1040x96xf32>
    %get3A_36 = arith.constant 0 : index
    %get3A_37 = arith.constant 0 : index
    %get3A_38 = vector.load %arg7[%get3A_36, %get3A_37] : memref<1x96xf32, #tpu.memory_space<vmem>>, vector<1x96xf32>
    %mul3A = vector.broadcast %get3A_38 : vector<1x96xf32> to vector<1040x96xf32>
    %mul3A_39 = arith.mulf %div3A_35, %mul3A : vector<1040x96xf32>
    %get3A_40 = arith.constant 0 : index
    %get3A_41 = arith.constant 0 : index
    %get3A_42 = vector.load %arg8[%get3A_40, %get3A_41] : memref<1x96xf32, #tpu.memory_space<vmem>>, vector<1x96xf32>
    %add3A_43 = vector.broadcast %get3A_42 : vector<1x96xf32> to vector<1040x96xf32>
    %add3A_44 = arith.addf %mul3A_39, %add3A_43 : vector<1040x96xf32>
    %slice3A = vector.extract_strided_slice %add3A_44 {offsets = [0, 0], sizes = [1024, 96], strides = [1, 1]} : vector<1040x96xf32> to vector<1024x96xf32>
    %get3A_45 = arith.constant 0 : index
    %get3A_46 = arith.constant 0 : index
    %get3A_47 = vector.load %arg9[%get3A_45, %get3A_46] : memref<96x96xf32, #tpu.memory_space<vmem>>, vector<96x96xf32>
    %dot_general3A = arith.constant dense<0.000000e+00> : vector<1024x96xf32>
    %dot_general3A_48 = tpu.matmul %slice3A, %get3A_47, %dot_general3A {dimension_numbers = #tpu.dot_dimension_numbers<[1], [0], [0], [1], [0, 0, 1, 1], [], []>, transpose_lhs_hint = false} : vector<1024x96xf32>, vector<96x96xf32>, vector<1024x96xf32> -> vector<1024x96xf32>
    %mul3A_49 = arith.constant 0.288675129 : f32
    %mul3A_50 = vector.broadcast %mul3A_49 : f32 to vector<1024x96xf32>
    %mul3A_51 = arith.mulf %dot_general3A_48, %mul3A_50 : vector<1024x96xf32>
    %get3A_52 = arith.constant 0 : index
    %get3A_53 = arith.constant 0 : index
    %get3A_54 = vector.load %arg10[%get3A_52, %get3A_53] : memref<96x96xf32, #tpu.memory_space<vmem>>, vector<96x96xf32>
    %dot_general3A_55 = arith.constant dense<0.000000e+00> : vector<1040x96xf32>
    %dot_general3A_56 = tpu.matmul %add3A_44, %get3A_54, %dot_general3A_55 {dimension_numbers = #tpu.dot_dimension_numbers<[1], [0], [0], [1], [0, 0, 1, 1], [], []>, transpose_lhs_hint = false} : vector<1040x96xf32>, vector<96x96xf32>, vector<1040x96xf32> -> vector<1040x96xf32>
    %get3A_57 = arith.constant 0 : index
    %get3A_58 = arith.constant 0 : index
    %get3A_59 = vector.load %arg11[%get3A_57, %get3A_58] : memref<96x96xf32, #tpu.memory_space<vmem>>, vector<96x96xf32>
    %dot_general3A_60 = arith.constant dense<0.000000e+00> : vector<1040x96xf32>
    %dot_general3A_61 = tpu.matmul %add3A_44, %get3A_59, %dot_general3A_60 {dimension_numbers = #tpu.dot_dimension_numbers<[1], [0], [0], [1], [0, 0, 1, 1], [], []>, transpose_lhs_hint = false} : vector<1040x96xf32>, vector<96x96xf32>, vector<1040x96xf32> -> vector<1040x96xf32>
    %iota3A = tpu.iota {dimensions = array<i32: 1>} : vector<1x1040xi32>
    %lt3A = arith.constant 1034 : i32
    %lt3A_62 = vector.broadcast %lt3A : i32 to vector<1x1040xi32>
    %lt3A_63 = arith.cmpi slt, %iota3A, %lt3A_62 : vector<1x1040xi32>
    %slice3A_64 = vector.extract_strided_slice %mul3A_51 {offsets = [0, 0], sizes = [1024, 12], strides = [1, 1]} : vector<1024x96xf32> to vector<1024x12xf32>
    %slice3A_65 = vector.extract_strided_slice %dot_general3A_56 {offsets = [0, 0], sizes = [1040, 12], strides = [1, 1]} : vector<1040x96xf32> to vector<1040x12xf32>
    %slice3A_66 = vector.extract_strided_slice %dot_general3A_61 {offsets = [0, 0], sizes = [1040, 12], strides = [1, 1]} : vector<1040x96xf32> to vector<1040x12xf32>
    %dot_general3A_67 = arith.constant dense<0.000000e+00> : vector<1024x1040xf32>
    %dot_general3A_68 = tpu.matmul %slice3A_64, %slice3A_65, %dot_general3A_67 {dimension_numbers = #tpu.dot_dimension_numbers<[1], [1], [0], [0], [0, 0, 1, 0], [], []>, transpose_lhs_hint = false} : vector<1024x12xf32>, vector<1040x12xf32>, vector<1024x1040xf32> -> vector<1024x1040xf32>
    %jit3A = arith.constant -1.000000e+30 : f32
    %broadcast_in_dim3A_69 = vector.shape_cast %lt3A_63 : vector<1x1040xi1> to vector<1x1040xi1>
    %broadcast_in_dim3A_70 = vector.broadcast %broadcast_in_dim3A_69 : vector<1x1040xi1> to vector<1024x1040xi1>
    %broadcast_in_dim3A_71 = vector.broadcast %jit3A : f32 to vector<1024x1040xf32>
    %select_n3A = arith.select %broadcast_in_dim3A_70, %dot_general3A_68, %broadcast_in_dim3A_71 : vector<1024x1040xi1>, vector<1024x1040xf32>
    %reduce_max3A = arith.constant dense<0xFF800000> : vector<1024xf32>
    %reduce_max3A_72 = vector.multi_reduction <maximumf>, %select_n3A, %reduce_max3A [1] : vector<1024x1040xf32> to vector<1024xf32>
    %broadcast_in_dim3A_73 = vector.shape_cast %reduce_max3A_72 : vector<1024xf32> to vector<1024x1xf32>
    %sub3A_74 = vector.broadcast %broadcast_in_dim3A_73 : vector<1024x1xf32> to vector<1024x1040xf32>
    %sub3A_75 = arith.subf %select_n3A, %sub3A_74 : vector<1024x1040xf32>
    %exp3A = math.exp %sub3A_75 : vector<1024x1040xf32>
    %reduce_sum3A = arith.constant dense<0.000000e+00> : vector<1024xf32>
    %reduce_sum3A_76 = vector.multi_reduction <add>, %exp3A, %reduce_sum3A [1] : vector<1024x1040xf32> to vector<1024xf32>
    %broadcast_in_dim3A_77 = vector.shape_cast %reduce_sum3A_76 : vector<1024xf32> to vector<1024x1xf32>
    %div3A_78 = vector.broadcast %broadcast_in_dim3A_77 : vector<1024x1xf32> to vector<1024x1040xf32>
    %div3A_79 = arith.divf %exp3A, %div3A_78 : vector<1024x1040xf32>
    %dot_general3A_80 = arith.constant dense<0.000000e+00> : vector<1024x12xf32>
    %dot_general3A_81 = tpu.matmul %div3A_79, %slice3A_66, %dot_general3A_80 {dimension_numbers = #tpu.dot_dimension_numbers<[1], [0], [0], [1], [0, 0, 1, 1], [], []>, transpose_lhs_hint = false} : vector<1024x1040xf32>, vector<1040x12xf32>, vector<1024x12xf32> -> vector<1024x12xf32>
    %convert_element_type3A = arith.truncf %dot_general3A_81 : vector<1024x12xf32> to vector<1024x12xbf16>
    %convert_element_type3A_82 = arith.extf %convert_element_type3A : vector<1024x12xbf16> to vector<1024x12xf32>
    %slice3A_83 = vector.extract_strided_slice %mul3A_51 {offsets = [0, 12], sizes = [1024, 12], strides = [1, 1]} : vector<1024x96xf32> to vector<1024x12xf32>
    %slice3A_84 = vector.extract_strided_slice %dot_general3A_56 {offsets = [0, 12], sizes = [1040, 12], strides = [1, 1]} : vector<1040x96xf32> to vector<1040x12xf32>
    %slice3A_85 = vector.extract_strided_slice %dot_general3A_61 {offsets = [0, 12], sizes = [1040, 12], strides = [1, 1]} : vector<1040x96xf32> to vector<1040x12xf32>
    %dot_general3A_86 = arith.constant dense<0.000000e+00> : vector<1024x1040xf32>
    %dot_general3A_87 = tpu.matmul %slice3A_83, %slice3A_84, %dot_general3A_86 {dimension_numbers = #tpu.dot_dimension_numbers<[1], [1], [0], [0], [0, 0, 1, 0], [], []>, transpose_lhs_hint = false} : vector<1024x12xf32>, vector<1040x12xf32>, vector<1024x1040xf32> -> vector<1024x1040xf32>
    %jit3A_88 = arith.constant -1.000000e+30 : f32
    %broadcast_in_dim3A_89 = vector.shape_cast %lt3A_63 : vector<1x1040xi1> to vector<1x1040xi1>
    %broadcast_in_dim3A_90 = vector.broadcast %broadcast_in_dim3A_89 : vector<1x1040xi1> to vector<1024x1040xi1>
    %broadcast_in_dim3A_91 = vector.broadcast %jit3A_88 : f32 to vector<1024x1040xf32>
    %select_n3A_92 = arith.select %broadcast_in_dim3A_90, %dot_general3A_87, %broadcast_in_dim3A_91 : vector<1024x1040xi1>, vector<1024x1040xf32>
    %reduce_max3A_93 = arith.constant dense<0xFF800000> : vector<1024xf32>
    %reduce_max3A_94 = vector.multi_reduction <maximumf>, %select_n3A_92, %reduce_max3A_93 [1] : vector<1024x1040xf32> to vector<1024xf32>
    %broadcast_in_dim3A_95 = vector.shape_cast %reduce_max3A_94 : vector<1024xf32> to vector<1024x1xf32>
    %sub3A_96 = vector.broadcast %broadcast_in_dim3A_95 : vector<1024x1xf32> to vector<1024x1040xf32>
    %sub3A_97 = arith.subf %select_n3A_92, %sub3A_96 : vector<1024x1040xf32>
    %exp3A_98 = math.exp %sub3A_97 : vector<1024x1040xf32>
    %reduce_sum3A_99 = arith.constant dense<0.000000e+00> : vector<1024xf32>
    %reduce_sum3A_100 = vector.multi_reduction <add>, %exp3A_98, %reduce_sum3A_99 [1] : vector<1024x1040xf32> to vector<1024xf32>
    %broadcast_in_dim3A_101 = vector.shape_cast %reduce_sum3A_100 : vector<1024xf32> to vector<1024x1xf32>
    %div3A_102 = vector.broadcast %broadcast_in_dim3A_101 : vector<1024x1xf32> to vector<1024x1040xf32>
    %div3A_103 = arith.divf %exp3A_98, %div3A_102 : vector<1024x1040xf32>
    %dot_general3A_104 = arith.constant dense<0.000000e+00> : vector<1024x12xf32>
    %dot_general3A_105 = tpu.matmul %div3A_103, %slice3A_85, %dot_general3A_104 {dimension_numbers = #tpu.dot_dimension_numbers<[1], [0], [0], [1], [0, 0, 1, 1], [], []>, transpose_lhs_hint = false} : vector<1024x1040xf32>, vector<1040x12xf32>, vector<1024x12xf32> -> vector<1024x12xf32>
    %convert_element_type3A_106 = arith.truncf %dot_general3A_105 : vector<1024x12xf32> to vector<1024x12xbf16>
    %convert_element_type3A_107 = arith.extf %convert_element_type3A_106 : vector<1024x12xbf16> to vector<1024x12xf32>
    %slice3A_108 = vector.extract_strided_slice %mul3A_51 {offsets = [0, 24], sizes = [1024, 12], strides = [1, 1]} : vector<1024x96xf32> to vector<1024x12xf32>
    %slice3A_109 = vector.extract_strided_slice %dot_general3A_56 {offsets = [0, 24], sizes = [1040, 12], strides = [1, 1]} : vector<1040x96xf32> to vector<1040x12xf32>
    %slice3A_110 = vector.extract_strided_slice %dot_general3A_61 {offsets = [0, 24], sizes = [1040, 12], strides = [1, 1]} : vector<1040x96xf32> to vector<1040x12xf32>
    %dot_general3A_111 = arith.constant dense<0.000000e+00> : vector<1024x1040xf32>
    %dot_general3A_112 = tpu.matmul %slice3A_108, %slice3A_109, %dot_general3A_111 {dimension_numbers = #tpu.dot_dimension_numbers<[1], [1], [0], [0], [0, 0, 1, 0], [], []>, transpose_lhs_hint = false} : vector<1024x12xf32>, vector<1040x12xf32>, vector<1024x1040xf32> -> vector<1024x1040xf32>
    %jit3A_113 = arith.constant -1.000000e+30 : f32
    %broadcast_in_dim3A_114 = vector.shape_cast %lt3A_63 : vector<1x1040xi1> to vector<1x1040xi1>
    %broadcast_in_dim3A_115 = vector.broadcast %broadcast_in_dim3A_114 : vector<1x1040xi1> to vector<1024x1040xi1>
    %broadcast_in_dim3A_116 = vector.broadcast %jit3A_113 : f32 to vector<1024x1040xf32>
    %select_n3A_117 = arith.select %broadcast_in_dim3A_115, %dot_general3A_112, %broadcast_in_dim3A_116 : vector<1024x1040xi1>, vector<1024x1040xf32>
    %reduce_max3A_118 = arith.constant dense<0xFF800000> : vector<1024xf32>
    %reduce_max3A_119 = vector.multi_reduction <maximumf>, %select_n3A_117, %reduce_max3A_118 [1] : vector<1024x1040xf32> to vector<1024xf32>
    %broadcast_in_dim3A_120 = vector.shape_cast %reduce_max3A_119 : vector<1024xf32> to vector<1024x1xf32>
    %sub3A_121 = vector.broadcast %broadcast_in_dim3A_120 : vector<1024x1xf32> to vector<1024x1040xf32>
    %sub3A_122 = arith.subf %select_n3A_117, %sub3A_121 : vector<1024x1040xf32>
    %exp3A_123 = math.exp %sub3A_122 : vector<1024x1040xf32>
    %reduce_sum3A_124 = arith.constant dense<0.000000e+00> : vector<1024xf32>
    %reduce_sum3A_125 = vector.multi_reduction <add>, %exp3A_123, %reduce_sum3A_124 [1] : vector<1024x1040xf32> to vector<1024xf32>
    %broadcast_in_dim3A_126 = vector.shape_cast %reduce_sum3A_125 : vector<1024xf32> to vector<1024x1xf32>
    %div3A_127 = vector.broadcast %broadcast_in_dim3A_126 : vector<1024x1xf32> to vector<1024x1040xf32>
    %div3A_128 = arith.divf %exp3A_123, %div3A_127 : vector<1024x1040xf32>
    %dot_general3A_129 = arith.constant dense<0.000000e+00> : vector<1024x12xf32>
    %dot_general3A_130 = tpu.matmul %div3A_128, %slice3A_110, %dot_general3A_129 {dimension_numbers = #tpu.dot_dimension_numbers<[1], [0], [0], [1], [0, 0, 1, 1], [], []>, transpose_lhs_hint = false} : vector<1024x1040xf32>, vector<1040x12xf32>, vector<1024x12xf32> -> vector<1024x12xf32>
    %convert_element_type3A_131 = arith.truncf %dot_general3A_130 : vector<1024x12xf32> to vector<1024x12xbf16>
    %convert_element_type3A_132 = arith.extf %convert_element_type3A_131 : vector<1024x12xbf16> to vector<1024x12xf32>
    %slice3A_133 = vector.extract_strided_slice %mul3A_51 {offsets = [0, 36], sizes = [1024, 12], strides = [1, 1]} : vector<1024x96xf32> to vector<1024x12xf32>
    %slice3A_134 = vector.extract_strided_slice %dot_general3A_56 {offsets = [0, 36], sizes = [1040, 12], strides = [1, 1]} : vector<1040x96xf32> to vector<1040x12xf32>
    %slice3A_135 = vector.extract_strided_slice %dot_general3A_61 {offsets = [0, 36], sizes = [1040, 12], strides = [1, 1]} : vector<1040x96xf32> to vector<1040x12xf32>
    %dot_general3A_136 = arith.constant dense<0.000000e+00> : vector<1024x1040xf32>
    %dot_general3A_137 = tpu.matmul %slice3A_133, %slice3A_134, %dot_general3A_136 {dimension_numbers = #tpu.dot_dimension_numbers<[1], [1], [0], [0], [0, 0, 1, 0], [], []>, transpose_lhs_hint = false} : vector<1024x12xf32>, vector<1040x12xf32>, vector<1024x1040xf32> -> vector<1024x1040xf32>
    %jit3A_138 = arith.constant -1.000000e+30 : f32
    %broadcast_in_dim3A_139 = vector.shape_cast %lt3A_63 : vector<1x1040xi1> to vector<1x1040xi1>
    %broadcast_in_dim3A_140 = vector.broadcast %broadcast_in_dim3A_139 : vector<1x1040xi1> to vector<1024x1040xi1>
    %broadcast_in_dim3A_141 = vector.broadcast %jit3A_138 : f32 to vector<1024x1040xf32>
    %select_n3A_142 = arith.select %broadcast_in_dim3A_140, %dot_general3A_137, %broadcast_in_dim3A_141 : vector<1024x1040xi1>, vector<1024x1040xf32>
    %reduce_max3A_143 = arith.constant dense<0xFF800000> : vector<1024xf32>
    %reduce_max3A_144 = vector.multi_reduction <maximumf>, %select_n3A_142, %reduce_max3A_143 [1] : vector<1024x1040xf32> to vector<1024xf32>
    %broadcast_in_dim3A_145 = vector.shape_cast %reduce_max3A_144 : vector<1024xf32> to vector<1024x1xf32>
    %sub3A_146 = vector.broadcast %broadcast_in_dim3A_145 : vector<1024x1xf32> to vector<1024x1040xf32>
    %sub3A_147 = arith.subf %select_n3A_142, %sub3A_146 : vector<1024x1040xf32>
    %exp3A_148 = math.exp %sub3A_147 : vector<1024x1040xf32>
    %reduce_sum3A_149 = arith.constant dense<0.000000e+00> : vector<1024xf32>
    %reduce_sum3A_150 = vector.multi_reduction <add>, %exp3A_148, %reduce_sum3A_149 [1] : vector<1024x1040xf32> to vector<1024xf32>
    %broadcast_in_dim3A_151 = vector.shape_cast %reduce_sum3A_150 : vector<1024xf32> to vector<1024x1xf32>
    %div3A_152 = vector.broadcast %broadcast_in_dim3A_151 : vector<1024x1xf32> to vector<1024x1040xf32>
    %div3A_153 = arith.divf %exp3A_148, %div3A_152 : vector<1024x1040xf32>
    %dot_general3A_154 = arith.constant dense<0.000000e+00> : vector<1024x12xf32>
    %dot_general3A_155 = tpu.matmul %div3A_153, %slice3A_135, %dot_general3A_154 {dimension_numbers = #tpu.dot_dimension_numbers<[1], [0], [0], [1], [0, 0, 1, 1], [], []>, transpose_lhs_hint = false} : vector<1024x1040xf32>, vector<1040x12xf32>, vector<1024x12xf32> -> vector<1024x12xf32>
    %convert_element_type3A_156 = arith.truncf %dot_general3A_155 : vector<1024x12xf32> to vector<1024x12xbf16>
    %convert_element_type3A_157 = arith.extf %convert_element_type3A_156 : vector<1024x12xbf16> to vector<1024x12xf32>
    %slice3A_158 = vector.extract_strided_slice %mul3A_51 {offsets = [0, 48], sizes = [1024, 12], strides = [1, 1]} : vector<1024x96xf32> to vector<1024x12xf32>
    %slice3A_159 = vector.extract_strided_slice %dot_general3A_56 {offsets = [0, 48], sizes = [1040, 12], strides = [1, 1]} : vector<1040x96xf32> to vector<1040x12xf32>
    %slice3A_160 = vector.extract_strided_slice %dot_general3A_61 {offsets = [0, 48], sizes = [1040, 12], strides = [1, 1]} : vector<1040x96xf32> to vector<1040x12xf32>
    %dot_general3A_161 = arith.constant dense<0.000000e+00> : vector<1024x1040xf32>
    %dot_general3A_162 = tpu.matmul %slice3A_158, %slice3A_159, %dot_general3A_161 {dimension_numbers = #tpu.dot_dimension_numbers<[1], [1], [0], [0], [0, 0, 1, 0], [], []>, transpose_lhs_hint = false} : vector<1024x12xf32>, vector<1040x12xf32>, vector<1024x1040xf32> -> vector<1024x1040xf32>
    %jit3A_163 = arith.constant -1.000000e+30 : f32
    %broadcast_in_dim3A_164 = vector.shape_cast %lt3A_63 : vector<1x1040xi1> to vector<1x1040xi1>
    %broadcast_in_dim3A_165 = vector.broadcast %broadcast_in_dim3A_164 : vector<1x1040xi1> to vector<1024x1040xi1>
    %broadcast_in_dim3A_166 = vector.broadcast %jit3A_163 : f32 to vector<1024x1040xf32>
    %select_n3A_167 = arith.select %broadcast_in_dim3A_165, %dot_general3A_162, %broadcast_in_dim3A_166 : vector<1024x1040xi1>, vector<1024x1040xf32>
    %reduce_max3A_168 = arith.constant dense<0xFF800000> : vector<1024xf32>
    %reduce_max3A_169 = vector.multi_reduction <maximumf>, %select_n3A_167, %reduce_max3A_168 [1] : vector<1024x1040xf32> to vector<1024xf32>
    %broadcast_in_dim3A_170 = vector.shape_cast %reduce_max3A_169 : vector<1024xf32> to vector<1024x1xf32>
    %sub3A_171 = vector.broadcast %broadcast_in_dim3A_170 : vector<1024x1xf32> to vector<1024x1040xf32>
    %sub3A_172 = arith.subf %select_n3A_167, %sub3A_171 : vector<1024x1040xf32>
    %exp3A_173 = math.exp %sub3A_172 : vector<1024x1040xf32>
    %reduce_sum3A_174 = arith.constant dense<0.000000e+00> : vector<1024xf32>
    %reduce_sum3A_175 = vector.multi_reduction <add>, %exp3A_173, %reduce_sum3A_174 [1] : vector<1024x1040xf32> to vector<1024xf32>
    %broadcast_in_dim3A_176 = vector.shape_cast %reduce_sum3A_175 : vector<1024xf32> to vector<1024x1xf32>
    %div3A_177 = vector.broadcast %broadcast_in_dim3A_176 : vector<1024x1xf32> to vector<1024x1040xf32>
    %div3A_178 = arith.divf %exp3A_173, %div3A_177 : vector<1024x1040xf32>
    %dot_general3A_179 = arith.constant dense<0.000000e+00> : vector<1024x12xf32>
    %dot_general3A_180 = tpu.matmul %div3A_178, %slice3A_160, %dot_general3A_179 {dimension_numbers = #tpu.dot_dimension_numbers<[1], [0], [0], [1], [0, 0, 1, 1], [], []>, transpose_lhs_hint = false} : vector<1024x1040xf32>, vector<1040x12xf32>, vector<1024x12xf32> -> vector<1024x12xf32>
    %convert_element_type3A_181 = arith.truncf %dot_general3A_180 : vector<1024x12xf32> to vector<1024x12xbf16>
    %convert_element_type3A_182 = arith.extf %convert_element_type3A_181 : vector<1024x12xbf16> to vector<1024x12xf32>
    %slice3A_183 = vector.extract_strided_slice %mul3A_51 {offsets = [0, 60], sizes = [1024, 12], strides = [1, 1]} : vector<1024x96xf32> to vector<1024x12xf32>
    %slice3A_184 = vector.extract_strided_slice %dot_general3A_56 {offsets = [0, 60], sizes = [1040, 12], strides = [1, 1]} : vector<1040x96xf32> to vector<1040x12xf32>
    %slice3A_185 = vector.extract_strided_slice %dot_general3A_61 {offsets = [0, 60], sizes = [1040, 12], strides = [1, 1]} : vector<1040x96xf32> to vector<1040x12xf32>
    %dot_general3A_186 = arith.constant dense<0.000000e+00> : vector<1024x1040xf32>
    %dot_general3A_187 = tpu.matmul %slice3A_183, %slice3A_184, %dot_general3A_186 {dimension_numbers = #tpu.dot_dimension_numbers<[1], [1], [0], [0], [0, 0, 1, 0], [], []>, transpose_lhs_hint = false} : vector<1024x12xf32>, vector<1040x12xf32>, vector<1024x1040xf32> -> vector<1024x1040xf32>
    %jit3A_188 = arith.constant -1.000000e+30 : f32
    %broadcast_in_dim3A_189 = vector.shape_cast %lt3A_63 : vector<1x1040xi1> to vector<1x1040xi1>
    %broadcast_in_dim3A_190 = vector.broadcast %broadcast_in_dim3A_189 : vector<1x1040xi1> to vector<1024x1040xi1>
    %broadcast_in_dim3A_191 = vector.broadcast %jit3A_188 : f32 to vector<1024x1040xf32>
    %select_n3A_192 = arith.select %broadcast_in_dim3A_190, %dot_general3A_187, %broadcast_in_dim3A_191 : vector<1024x1040xi1>, vector<1024x1040xf32>
    %reduce_max3A_193 = arith.constant dense<0xFF800000> : vector<1024xf32>
    %reduce_max3A_194 = vector.multi_reduction <maximumf>, %select_n3A_192, %reduce_max3A_193 [1] : vector<1024x1040xf32> to vector<1024xf32>
    %broadcast_in_dim3A_195 = vector.shape_cast %reduce_max3A_194 : vector<1024xf32> to vector<1024x1xf32>
    %sub3A_196 = vector.broadcast %broadcast_in_dim3A_195 : vector<1024x1xf32> to vector<1024x1040xf32>
    %sub3A_197 = arith.subf %select_n3A_192, %sub3A_196 : vector<1024x1040xf32>
    %exp3A_198 = math.exp %sub3A_197 : vector<1024x1040xf32>
    %reduce_sum3A_199 = arith.constant dense<0.000000e+00> : vector<1024xf32>
    %reduce_sum3A_200 = vector.multi_reduction <add>, %exp3A_198, %reduce_sum3A_199 [1] : vector<1024x1040xf32> to vector<1024xf32>
    %broadcast_in_dim3A_201 = vector.shape_cast %reduce_sum3A_200 : vector<1024xf32> to vector<1024x1xf32>
    %div3A_202 = vector.broadcast %broadcast_in_dim3A_201 : vector<1024x1xf32> to vector<1024x1040xf32>
    %div3A_203 = arith.divf %exp3A_198, %div3A_202 : vector<1024x1040xf32>
    %dot_general3A_204 = arith.constant dense<0.000000e+00> : vector<1024x12xf32>
    %dot_general3A_205 = tpu.matmul %div3A_203, %slice3A_185, %dot_general3A_204 {dimension_numbers = #tpu.dot_dimension_numbers<[1], [0], [0], [1], [0, 0, 1, 1], [], []>, transpose_lhs_hint = false} : vector<1024x1040xf32>, vector<1040x12xf32>, vector<1024x12xf32> -> vector<1024x12xf32>
    %convert_element_type3A_206 = arith.truncf %dot_general3A_205 : vector<1024x12xf32> to vector<1024x12xbf16>
    %convert_element_type3A_207 = arith.extf %convert_element_type3A_206 : vector<1024x12xbf16> to vector<1024x12xf32>
    %slice3A_208 = vector.extract_strided_slice %mul3A_51 {offsets = [0, 72], sizes = [1024, 12], strides = [1, 1]} : vector<1024x96xf32> to vector<1024x12xf32>
    %slice3A_209 = vector.extract_strided_slice %dot_general3A_56 {offsets = [0, 72], sizes = [1040, 12], strides = [1, 1]} : vector<1040x96xf32> to vector<1040x12xf32>
    %slice3A_210 = vector.extract_strided_slice %dot_general3A_61 {offsets = [0, 72], sizes = [1040, 12], strides = [1, 1]} : vector<1040x96xf32> to vector<1040x12xf32>
    %dot_general3A_211 = arith.constant dense<0.000000e+00> : vector<1024x1040xf32>
    %dot_general3A_212 = tpu.matmul %slice3A_208, %slice3A_209, %dot_general3A_211 {dimension_numbers = #tpu.dot_dimension_numbers<[1], [1], [0], [0], [0, 0, 1, 0], [], []>, transpose_lhs_hint = false} : vector<1024x12xf32>, vector<1040x12xf32>, vector<1024x1040xf32> -> vector<1024x1040xf32>
    %jit3A_213 = arith.constant -1.000000e+30 : f32
    %broadcast_in_dim3A_214 = vector.shape_cast %lt3A_63 : vector<1x1040xi1> to vector<1x1040xi1>
    %broadcast_in_dim3A_215 = vector.broadcast %broadcast_in_dim3A_214 : vector<1x1040xi1> to vector<1024x1040xi1>
    %broadcast_in_dim3A_216 = vector.broadcast %jit3A_213 : f32 to vector<1024x1040xf32>
    %select_n3A_217 = arith.select %broadcast_in_dim3A_215, %dot_general3A_212, %broadcast_in_dim3A_216 : vector<1024x1040xi1>, vector<1024x1040xf32>
    %reduce_max3A_218 = arith.constant dense<0xFF800000> : vector<1024xf32>
    %reduce_max3A_219 = vector.multi_reduction <maximumf>, %select_n3A_217, %reduce_max3A_218 [1] : vector<1024x1040xf32> to vector<1024xf32>
    %broadcast_in_dim3A_220 = vector.shape_cast %reduce_max3A_219 : vector<1024xf32> to vector<1024x1xf32>
    %sub3A_221 = vector.broadcast %broadcast_in_dim3A_220 : vector<1024x1xf32> to vector<1024x1040xf32>
    %sub3A_222 = arith.subf %select_n3A_217, %sub3A_221 : vector<1024x1040xf32>
    %exp3A_223 = math.exp %sub3A_222 : vector<1024x1040xf32>
    %reduce_sum3A_224 = arith.constant dense<0.000000e+00> : vector<1024xf32>
    %reduce_sum3A_225 = vector.multi_reduction <add>, %exp3A_223, %reduce_sum3A_224 [1] : vector<1024x1040xf32> to vector<1024xf32>
    %broadcast_in_dim3A_226 = vector.shape_cast %reduce_sum3A_225 : vector<1024xf32> to vector<1024x1xf32>
    %div3A_227 = vector.broadcast %broadcast_in_dim3A_226 : vector<1024x1xf32> to vector<1024x1040xf32>
    %div3A_228 = arith.divf %exp3A_223, %div3A_227 : vector<1024x1040xf32>
    %dot_general3A_229 = arith.constant dense<0.000000e+00> : vector<1024x12xf32>
    %dot_general3A_230 = tpu.matmul %div3A_228, %slice3A_210, %dot_general3A_229 {dimension_numbers = #tpu.dot_dimension_numbers<[1], [0], [0], [1], [0, 0, 1, 1], [], []>, transpose_lhs_hint = false} : vector<1024x1040xf32>, vector<1040x12xf32>, vector<1024x12xf32> -> vector<1024x12xf32>
    %convert_element_type3A_231 = arith.truncf %dot_general3A_230 : vector<1024x12xf32> to vector<1024x12xbf16>
    %convert_element_type3A_232 = arith.extf %convert_element_type3A_231 : vector<1024x12xbf16> to vector<1024x12xf32>
    %slice3A_233 = vector.extract_strided_slice %mul3A_51 {offsets = [0, 84], sizes = [1024, 12], strides = [1, 1]} : vector<1024x96xf32> to vector<1024x12xf32>
    %slice3A_234 = vector.extract_strided_slice %dot_general3A_56 {offsets = [0, 84], sizes = [1040, 12], strides = [1, 1]} : vector<1040x96xf32> to vector<1040x12xf32>
    %slice3A_235 = vector.extract_strided_slice %dot_general3A_61 {offsets = [0, 84], sizes = [1040, 12], strides = [1, 1]} : vector<1040x96xf32> to vector<1040x12xf32>
    %dot_general3A_236 = arith.constant dense<0.000000e+00> : vector<1024x1040xf32>
    %dot_general3A_237 = tpu.matmul %slice3A_233, %slice3A_234, %dot_general3A_236 {dimension_numbers = #tpu.dot_dimension_numbers<[1], [1], [0], [0], [0, 0, 1, 0], [], []>, transpose_lhs_hint = false} : vector<1024x12xf32>, vector<1040x12xf32>, vector<1024x1040xf32> -> vector<1024x1040xf32>
    %jit3A_238 = arith.constant -1.000000e+30 : f32
    %broadcast_in_dim3A_239 = vector.shape_cast %lt3A_63 : vector<1x1040xi1> to vector<1x1040xi1>
    %broadcast_in_dim3A_240 = vector.broadcast %broadcast_in_dim3A_239 : vector<1x1040xi1> to vector<1024x1040xi1>
    %broadcast_in_dim3A_241 = vector.broadcast %jit3A_238 : f32 to vector<1024x1040xf32>
    %select_n3A_242 = arith.select %broadcast_in_dim3A_240, %dot_general3A_237, %broadcast_in_dim3A_241 : vector<1024x1040xi1>, vector<1024x1040xf32>
    %reduce_max3A_243 = arith.constant dense<0xFF800000> : vector<1024xf32>
    %reduce_max3A_244 = vector.multi_reduction <maximumf>, %select_n3A_242, %reduce_max3A_243 [1] : vector<1024x1040xf32> to vector<1024xf32>
    %broadcast_in_dim3A_245 = vector.shape_cast %reduce_max3A_244 : vector<1024xf32> to vector<1024x1xf32>
    %sub3A_246 = vector.broadcast %broadcast_in_dim3A_245 : vector<1024x1xf32> to vector<1024x1040xf32>
    %sub3A_247 = arith.subf %select_n3A_242, %sub3A_246 : vector<1024x1040xf32>
    %exp3A_248 = math.exp %sub3A_247 : vector<1024x1040xf32>
    %reduce_sum3A_249 = arith.constant dense<0.000000e+00> : vector<1024xf32>
    %reduce_sum3A_250 = vector.multi_reduction <add>, %exp3A_248, %reduce_sum3A_249 [1] : vector<1024x1040xf32> to vector<1024xf32>
    %broadcast_in_dim3A_251 = vector.shape_cast %reduce_sum3A_250 : vector<1024xf32> to vector<1024x1xf32>
    %div3A_252 = vector.broadcast %broadcast_in_dim3A_251 : vector<1024x1xf32> to vector<1024x1040xf32>
    %div3A_253 = arith.divf %exp3A_248, %div3A_252 : vector<1024x1040xf32>
    %dot_general3A_254 = arith.constant dense<0.000000e+00> : vector<1024x12xf32>
    %dot_general3A_255 = tpu.matmul %div3A_253, %slice3A_235, %dot_general3A_254 {dimension_numbers = #tpu.dot_dimension_numbers<[1], [0], [0], [1], [0, 0, 1, 1], [], []>, transpose_lhs_hint = false} : vector<1024x1040xf32>, vector<1040x12xf32>, vector<1024x12xf32> -> vector<1024x12xf32>
    %convert_element_type3A_256 = arith.truncf %dot_general3A_255 : vector<1024x12xf32> to vector<1024x12xbf16>
    %convert_element_type3A_257 = arith.extf %convert_element_type3A_256 : vector<1024x12xbf16> to vector<1024x12xf32>
    %concatenate3A_258 = tpu.concatenate %convert_element_type3A_82, %convert_element_type3A_107, %convert_element_type3A_132, %convert_element_type3A_157, %convert_element_type3A_182, %convert_element_type3A_207, %convert_element_type3A_232, %convert_element_type3A_257 in 1 : vector<1024x12xf32>, vector<1024x12xf32>, vector<1024x12xf32>, vector<1024x12xf32>, vector<1024x12xf32>, vector<1024x12xf32>, vector<1024x12xf32>, vector<1024x12xf32> -> vector<1024x96xf32>
    %get3A_259 = arith.constant 0 : index
    %get3A_260 = arith.constant 0 : index
    %get3A_261 = vector.load %arg12[%get3A_259, %get3A_260] : memref<96x96xf32, #tpu.memory_space<vmem>>, vector<96x96xf32>
    %dot_general3A_262 = arith.constant dense<0.000000e+00> : vector<1024x96xf32>
    %dot_general3A_263 = tpu.matmul %concatenate3A_258, %get3A_261, %dot_general3A_262 {dimension_numbers = #tpu.dot_dimension_numbers<[1], [0], [0], [1], [0, 0, 1, 1], [], []>, transpose_lhs_hint = false} : vector<1024x96xf32>, vector<96x96xf32>, vector<1024x96xf32> -> vector<1024x96xf32>
    %get3A_264 = arith.constant 0 : index
    %get3A_265 = arith.constant 0 : index
    %get3A_266 = vector.load %arg13[%get3A_264, %get3A_265] : memref<1x96xf32, #tpu.memory_space<vmem>>, vector<1x96xf32>
    %add3A_267 = vector.broadcast %get3A_266 : vector<1x96xf32> to vector<1024x96xf32>
    %add3A_268 = arith.addf %dot_general3A_263, %add3A_267 : vector<1024x96xf32>
    %add3A_269 = arith.addf %get3A_3, %add3A_268 : vector<1024x96xf32>
    %swap3A_270 = arith.constant 0 : index
    %swap3A_271 = arith.constant 0 : index
    %swap3A_272 = arith.constant 0 : index
    %swap3A_273 = vector.load %arg14[%swap3A_270, %swap3A_271, %swap3A_272] : memref<1x1024x96xf32, #tpu.memory_space<vmem>>, vector<1x1024x96xf32>
    %swap3A_274 = vector.shape_cast %swap3A_273 : vector<1x1024x96xf32> to vector<1024x96xf32>
    %swap3A_275 = vector.shape_cast %add3A_269 : vector<1024x96xf32> to vector<1x1024x96xf32>
    tpu.vector_store %arg14[%swap3A_270, %swap3A_271, %swap3A_272], %swap3A_275 {strides = array<i32>} : memref<1x1024x96xf32, #tpu.memory_space<vmem>>, vector<1x1024x96xf32>,
    return
  }
  func.func @transform_0(%arg0: i32) -> (i32, i32, i32) {
    %c0_i32 = arith.constant 0 : i32
    %c0_i32_0 = arith.constant 0 : i32
    %c0_i32_1 = arith.constant 0 : i32
    return %arg0, %c0_i32, %c0_i32_0 : i32, i32, i32
  }
  func.func @transform_1(%arg0: i32) -> (i32, i32) {
    %c0_i32 = arith.constant 0 : i32
    %c0_i32_0 = arith.constant 0 : i32
    %c0_i32_1 = arith.constant 0 : i32
    return %c0_i32, %c0_i32_0 : i32, i32
  }
  func.func @transform_2(%arg0: i32) -> (i32, i32, i32) {
    %c0_i32 = arith.constant 0 : i32
    %c0_i32_0 = arith.constant 0 : i32
    %c0_i32_1 = arith.constant 0 : i32
    return %arg0, %c0_i32, %c0_i32_0 : i32, i32, i32
  }
  func.func @transform_3(%arg0: i32) -> (i32, i32, i32) {
    %c0_i32 = arith.constant 0 : i32
    %c0_i32_0 = arith.constant 0 : i32
    %c0_i32_1 = arith.constant 0 : i32
    return %arg0, %c0_i32, %c0_i32_0 : i32, i32, i32
  }
  func.func @transform_4(%arg0: i32) -> (i32, i32) {
    %c0_i32 = arith.constant 0 : i32
    %c0_i32_0 = arith.constant 0 : i32
    %c0_i32_1 = arith.constant 0 : i32
    return %c0_i32, %c0_i32_0 : i32, i32
  }
  func.func @transform_5(%arg0: i32) -> (i32, i32) {
    %c0_i32 = arith.constant 0 : i32
    %c0_i32_0 = arith.constant 0 : i32
    %c0_i32_1 = arith.constant 0 : i32
    return %c0_i32, %c0_i32_0 : i32, i32
  }
  func.func @transform_6(%arg0: i32) -> (i32, i32) {
    %c0_i32 = arith.constant 0 : i32
    %c0_i32_0 = arith.constant 0 : i32
    %c0_i32_1 = arith.constant 0 : i32
    return %c0_i32, %c0_i32_0 : i32, i32
  }
  func.func @transform_7(%arg0: i32) -> (i32, i32) {
    %c0_i32 = arith.constant 0 : i32
    %c0_i32_0 = arith.constant 0 : i32
    %c0_i32_1 = arith.constant 0 : i32
    return %c0_i32, %c0_i32_0 : i32, i32
  }
  func.func @transform_8(%arg0: i32) -> (i32, i32) {
    %c0_i32 = arith.constant 0 : i32
    %c0_i32_0 = arith.constant 0 : i32
    %c0_i32_1 = arith.constant 0 : i32
    return %c0_i32, %c0_i32_0 : i32, i32
  }
  func.func @transform_9(%arg0: i32) -> (i32, i32) {
    %c0_i32 = arith.constant 0 : i32
    %c0_i32_0 = arith.constant 0 : i32
    %c0_i32_1 = arith.constant 0 : i32
    return %c0_i32, %c0_i32_0 : i32, i32
  }
  func.func @transform_10(%arg0: i32) -> (i32, i32) {
    %c0_i32 = arith.constant 0 : i32
    %c0_i32_0 = arith.constant 0 : i32
    %c0_i32_1 = arith.constant 0 : i32
    return %c0_i32, %c0_i32_0 : i32, i32
  }
  func.func @transform_11(%arg0: i32) -> (i32, i32) {
    %c0_i32 = arith.constant 0 : i32
    %c0_i32_0 = arith.constant 0 : i32
    %c0_i32_1 = arith.constant 0 : i32
    return %c0_i32, %c0_i32_0 : i32, i32
  }
  func.func @transform_12(%arg0: i32) -> (i32, i32) {
    %c0_i32 = arith.constant 0 : i32
    %c0_i32_0 = arith.constant 0 : i32
    %c0_i32_1 = arith.constant 0 : i32
    return %c0_i32, %c0_i32_0 : i32, i32
  }
  func.func @transform_13(%arg0: i32) -> (i32, i32, i32) {
    %c0_i32 = arith.constant 0 : i32
    %c0_i32_0 = arith.constant 0 : i32
    %c0_i32_1 = arith.constant 0 : i32
    return %arg0, %c0_i32, %c0_i32_0 : i32, i32, i32
  }
  func.func @transform_14(%arg0: i32) -> (i32, i32, i32) {
    %c0_i32 = arith.constant 0 : i32
    %c0_i32_0 = arith.constant 0 : i32
    %c0_i32_1 = arith.constant 0 : i32
    return %arg0, %c0_i32, %c0_i32_0 : i32, i32, i32
  }
}

module attributes {stable_mosaic.version = 14 : i64} {
  func.func @_select_body(%arg0: i32, %arg1: memref<1x1024x96xf32, #tpu.memory_space<vmem>>, %arg2: memref<1x1024x1xf32, #tpu.memory_space<vmem>>, %arg3: memref<1x1024x1xf32, #tpu.memory_space<vmem>>, %arg4: memref<1x96xf32, #tpu.memory_space<vmem>>, %arg5: memref<1x96xf32, #tpu.memory_space<vmem>>, %arg6: memref<96x96xf32, #tpu.memory_space<vmem>>, %arg7: memref<1x96xf32, #tpu.memory_space<vmem>>, %arg8: memref<96x1xf32, #tpu.memory_space<vmem>>, %arg9: memref<1x1x256xi32, #tpu.memory_space<vmem>>) attributes {dimension_semantics = [#tpu.dimension_semantics<arbitrary>], iteration_bounds = array<i64: 32>, scalar_prefetch = 0 : i64, scratch_operands = 0 : i64, tpu.core_type = #tpu.core_type<tc>, window_params = [{transform_indices = @transform_0, window_bounds = array<i64: 1, 1024, 96>}, {transform_indices = @transform_1, window_bounds = array<i64: 1, 1024, 1>}, {transform_indices = @transform_2, window_bounds = array<i64: 1, 1024, 1>}, {pipeline_mode = #tpu.pipeline_mode<synchronous>, transform_indices = @transform_3, window_bounds = array<i64: 1, 96>}, {pipeline_mode = #tpu.pipeline_mode<synchronous>, transform_indices = @transform_4, window_bounds = array<i64: 1, 96>}, {pipeline_mode = #tpu.pipeline_mode<synchronous>, transform_indices = @transform_5, window_bounds = array<i64: 96, 96>}, {pipeline_mode = #tpu.pipeline_mode<synchronous>, transform_indices = @transform_6, window_bounds = array<i64: 1, 96>}, {pipeline_mode = #tpu.pipeline_mode<synchronous>, transform_indices = @transform_7, window_bounds = array<i64: 96, 1>}, {transform_indices = @transform_8, window_bounds = array<i64: 1, 1, 256>}]} {
    %get3A = arith.constant 0 : index
    %get3A_0 = arith.constant 0 : index
    %get3A_1 = arith.constant 0 : index
    %get3A_2 = vector.load %arg1[%get3A, %get3A_0, %get3A_1] : memref<1x1024x96xf32, #tpu.memory_space<vmem>>, vector<1x1024x96xf32>
    %get3A_3 = vector.shape_cast %get3A_2 : vector<1x1024x96xf32> to vector<1024x96xf32>
    %get3A_4 = arith.constant 0 : index
    %get3A_5 = arith.constant 0 : index
    %get3A_6 = arith.constant 0 : index
    %get3A_7 = vector.load %arg2[%get3A_4, %get3A_5, %get3A_6] : memref<1x1024x1xf32, #tpu.memory_space<vmem>>, vector<1x1024x1xf32>
    %get3A_8 = vector.shape_cast %get3A_7 : vector<1x1024x1xf32> to vector<1024x1xf32>
    %sub3A = vector.broadcast %get3A_8 : vector<1024x1xf32> to vector<1024x96xf32>
    %sub3A_9 = arith.subf %get3A_3, %sub3A : vector<1024x96xf32>
    %get3A_10 = arith.constant 0 : index
    %get3A_11 = arith.constant 0 : index
    %get3A_12 = arith.constant 0 : index
    %get3A_13 = vector.load %arg3[%get3A_10, %get3A_11, %get3A_12] : memref<1x1024x1xf32, #tpu.memory_space<vmem>>, vector<1x1024x1xf32>
    %get3A_14 = vector.shape_cast %get3A_13 : vector<1x1024x1xf32> to vector<1024x1xf32>
    %add3A = arith.constant 9.99999974E-6 : f32
    %add3A_15 = vector.broadcast %add3A : f32 to vector<1024x1xf32>
    %add3A_16 = arith.addf %get3A_14, %add3A_15 : vector<1024x1xf32>
    %sqrt3A = math.sqrt %add3A_16 : vector<1024x1xf32>
    %div3A = vector.broadcast %sqrt3A : vector<1024x1xf32> to vector<1024x96xf32>
    %div3A_17 = arith.divf %sub3A_9, %div3A : vector<1024x96xf32>
    %get3A_18 = arith.constant 0 : index
    %get3A_19 = arith.constant 0 : index
    %get3A_20 = vector.load %arg4[%get3A_18, %get3A_19] : memref<1x96xf32, #tpu.memory_space<vmem>>, vector<1x96xf32>
    %mul3A = vector.broadcast %get3A_20 : vector<1x96xf32> to vector<1024x96xf32>
    %mul3A_21 = arith.mulf %div3A_17, %mul3A : vector<1024x96xf32>
    %get3A_22 = arith.constant 0 : index
    %get3A_23 = arith.constant 0 : index
    %get3A_24 = vector.load %arg5[%get3A_22, %get3A_23] : memref<1x96xf32, #tpu.memory_space<vmem>>, vector<1x96xf32>
    %add3A_25 = vector.broadcast %get3A_24 : vector<1x96xf32> to vector<1024x96xf32>
    %add3A_26 = arith.addf %mul3A_21, %add3A_25 : vector<1024x96xf32>
    %get3A_27 = arith.constant 0 : index
    %get3A_28 = arith.constant 0 : index
    %get3A_29 = vector.load %arg6[%get3A_27, %get3A_28] : memref<96x96xf32, #tpu.memory_space<vmem>>, vector<96x96xf32>
    %dot_general3A = arith.constant dense<0.000000e+00> : vector<1024x96xf32>
    %dot_general3A_30 = tpu.matmul %add3A_26, %get3A_29, %dot_general3A {dimension_numbers = #tpu.dot_dimension_numbers<[1], [0], [0], [1], [0, 0, 1, 1], [], []>, transpose_lhs_hint = false} : vector<1024x96xf32>, vector<96x96xf32>, vector<1024x96xf32> -> vector<1024x96xf32>
    %get3A_31 = arith.constant 0 : index
    %get3A_32 = arith.constant 0 : index
    %get3A_33 = vector.load %arg7[%get3A_31, %get3A_32] : memref<1x96xf32, #tpu.memory_space<vmem>>, vector<1x96xf32>
    %add3A_34 = vector.broadcast %get3A_33 : vector<1x96xf32> to vector<1024x96xf32>
    %add3A_35 = arith.addf %dot_general3A_30, %add3A_34 : vector<1024x96xf32>
    %add3A_36 = arith.addf %get3A_3, %add3A_35 : vector<1024x96xf32>
    %get3A_37 = arith.constant 0 : index
    %get3A_38 = arith.constant 0 : index
    %get3A_39 = vector.load %arg8[%get3A_37, %get3A_38] : memref<96x1xf32, #tpu.memory_space<vmem>>, vector<96x1xf32>
    %dot_general3A_40 = arith.constant dense<0.000000e+00> : vector<1024x1xf32>
    %dot_general3A_41 = tpu.matmul %add3A_36, %get3A_39, %dot_general3A_40 {dimension_numbers = #tpu.dot_dimension_numbers<[1], [0], [0], [1], [0, 0, 1, 1], [], []>, transpose_lhs_hint = false} : vector<1024x96xf32>, vector<96x1xf32>, vector<1024x1xf32> -> vector<1024x1xf32>
    %iota3A = tpu.iota {dimensions = array<i32: 0>} : vector<1024x1024xi32>
    %iota3A_42 = tpu.iota {dimensions = array<i32: 1>} : vector<1024x1024xi32>
    %eq3A = arith.cmpi eq, %iota3A, %iota3A_42 : vector<1024x1024xi32>
    %convert_element_type3A = arith.extui %eq3A : vector<1024x1024xi1> to vector<1024x1024xi32>
    %convert_element_type3A_43 = arith.sitofp %convert_element_type3A : vector<1024x1024xi32> to vector<1024x1024xf32>
    %dot_general3A_44 = arith.constant dense<0.000000e+00> : vector<1x1024xf32>
    %dot_general3A_45 = tpu.matmul %dot_general3A_41, %convert_element_type3A_43, %dot_general3A_44 {dimension_numbers = #tpu.dot_dimension_numbers<[0], [0], [1], [1], [0, 1, 1, 1], [], []>, precision = #tpu.contract_precision<fp32>, transpose_lhs_hint = false} : vector<1024x1xf32>, vector<1024x1024xf32>, vector<1x1024xf32> -> vector<1x1024xf32>
    %gt3A = vector.broadcast %dot_general3A_45 : vector<1x1024xf32> to vector<1024x1024xf32>
    %gt3A_46 = vector.broadcast %dot_general3A_41 : vector<1024x1xf32> to vector<1024x1024xf32>
    %gt3A_47 = arith.cmpf ogt, %gt3A, %gt3A_46 : vector<1024x1024xf32>
    %eq3A_48 = vector.broadcast %dot_general3A_45 : vector<1x1024xf32> to vector<1024x1024xf32>
    %eq3A_49 = vector.broadcast %dot_general3A_41 : vector<1024x1xf32> to vector<1024x1024xf32>
    %eq3A_50 = arith.cmpf oeq, %eq3A_48, %eq3A_49 : vector<1024x1024xf32>
    %lt3A = arith.cmpi slt, %iota3A_42, %iota3A : vector<1024x1024xi32>
    %and3A = arith.andi %eq3A_50, %lt3A : vector<1024x1024xi1>
    %or3A = arith.ori %gt3A_47, %and3A : vector<1024x1024xi1>
    %convert_element_type3A_51 = arith.extui %or3A : vector<1024x1024xi1> to vector<1024x1024xi32>
    %convert_element_type3A_52 = arith.sitofp %convert_element_type3A_51 : vector<1024x1024xi32> to vector<1024x1024xf32>
    %broadcast_in_dim3A = arith.constant 1.000000e+00 : f32
    %broadcast_in_dim3A_53 = vector.broadcast %broadcast_in_dim3A : f32 to vector<1024x1xf32>
    %dot_general3A_54 = arith.constant dense<0.000000e+00> : vector<1024x1xf32>
    %dot_general3A_55 = tpu.matmul %convert_element_type3A_52, %broadcast_in_dim3A_53, %dot_general3A_54 {dimension_numbers = #tpu.dot_dimension_numbers<[1], [0], [0], [1], [0, 0, 1, 1], [], []>, precision = #tpu.contract_precision<fp32>, transpose_lhs_hint = false} : vector<1024x1024xf32>, vector<1024x1xf32>, vector<1024x1xf32> -> vector<1024x1xf32>
    %lt3A_56 = arith.constant 2.560000e+02 : f32
    %lt3A_57 = vector.broadcast %lt3A_56 : f32 to vector<1024x1xf32>
    %lt3A_58 = arith.cmpf olt, %dot_general3A_55, %lt3A_57 : vector<1024x1xf32>
    %convert_element_type3A_59 = arith.extui %lt3A_58 : vector<1024x1xi1> to vector<1024x1xi32>
    %convert_element_type3A_60 = arith.sitofp %convert_element_type3A_59 : vector<1024x1xi32> to vector<1024x1xf32>
    %lt3A_61 = arith.cmpi slt, %iota3A_42, %iota3A : vector<1024x1024xi32>
    %convert_element_type3A_62 = arith.extui %lt3A_61 : vector<1024x1024xi1> to vector<1024x1024xi32>
    %convert_element_type3A_63 = arith.sitofp %convert_element_type3A_62 : vector<1024x1024xi32> to vector<1024x1024xf32>
    %dot_general3A_64 = arith.constant dense<0.000000e+00> : vector<1024x1xf32>
    %dot_general3A_65 = tpu.matmul %convert_element_type3A_63, %convert_element_type3A_60, %dot_general3A_64 {dimension_numbers = #tpu.dot_dimension_numbers<[1], [0], [0], [1], [0, 0, 1, 1], [], []>, precision = #tpu.contract_precision<fp32>, transpose_lhs_hint = false} : vector<1024x1024xf32>, vector<1024x1xf32>, vector<1024x1xf32> -> vector<1024x1xf32>
    %iota3A_66 = tpu.iota {dimensions = array<i32: 1>} : vector<1024x256xi32>
    %convert_element_type3A_67 = arith.fptosi %dot_general3A_65 : vector<1024x1xf32> to vector<1024x1xi32>
    %eq3A_68 = vector.broadcast %convert_element_type3A_67 : vector<1024x1xi32> to vector<1024x256xi32>
    %eq3A_69 = arith.cmpi eq, %iota3A_66, %eq3A_68 : vector<1024x256xi32>
    %gt3A_70 = arith.constant 5.000000e-01 : f32
    %gt3A_71 = vector.broadcast %gt3A_70 : f32 to vector<1024x1xf32>
    %gt3A_72 = arith.cmpf ogt, %convert_element_type3A_60, %gt3A_71 : vector<1024x1xf32>
    %and3A_73 = vector.broadcast %gt3A_72 : vector<1024x1xi1> to vector<1024x256xi1>
    %and3A_74 = arith.andi %eq3A_69, %and3A_73 : vector<1024x256xi1>
    %convert_element_type3A_75 = arith.extui %and3A_74 : vector<1024x256xi1> to vector<1024x256xi32>
    %convert_element_type3A_76 = arith.sitofp %convert_element_type3A_75 : vector<1024x256xi32> to vector<1024x256xf32>
    %iota3A_77 = tpu.iota {dimensions = array<i32: 0>} : vector<1024x1xi32>
    %convert_element_type3A_78 = arith.sitofp %iota3A_77 : vector<1024x1xi32> to vector<1024x1xf32>
    %dot_general3A_79 = arith.constant dense<0.000000e+00> : vector<1x256xf32>
    %dot_general3A_80 = tpu.matmul %convert_element_type3A_78, %convert_element_type3A_76, %dot_general3A_79 {dimension_numbers = #tpu.dot_dimension_numbers<[0], [0], [1], [1], [0, 1, 1, 1], [], []>, precision = #tpu.contract_precision<fp32>, transpose_lhs_hint = false} : vector<1024x1xf32>, vector<1024x256xf32>, vector<1x256xf32> -> vector<1x256xf32>
    %convert_element_type3A_81 = arith.fptosi %dot_general3A_80 : vector<1x256xf32> to vector<1x256xi32>
    %mul3A_82 = arith.constant 1024 : i32
    %mul3A_83 = arith.muli %arg0, %mul3A_82 : i32
    %add3A_84 = vector.broadcast %mul3A_83 : i32 to vector<1x256xi32>
    %add3A_85 = arith.addi %convert_element_type3A_81, %add3A_84 : vector<1x256xi32>
    %swap3A = arith.constant 0 : index
    %swap3A_86 = arith.constant 0 : index
    %swap3A_87 = arith.constant 0 : index
    %swap3A_88 = vector.load %arg9[%swap3A, %swap3A_86, %swap3A_87] : memref<1x1x256xi32, #tpu.memory_space<vmem>>, vector<1x1x256xi32>
    %swap3A_89 = vector.shape_cast %swap3A_88 : vector<1x1x256xi32> to vector<1x256xi32>
    %swap3A_90 = vector.shape_cast %add3A_85 : vector<1x256xi32> to vector<1x1x256xi32>
    tpu.vector_store %arg9[%swap3A, %swap3A_86, %swap3A_87], %swap3A_90 {strides = array<i32>} : memref<1x1x256xi32, #tpu.memory_space<vmem>>, vector<1x1x256xi32>,
    return
  }
  func.func @transform_0(%arg0: i32) -> (i32, i32, i32) {
    %c0_i32 = arith.constant 0 : i32
    %c0_i32_0 = arith.constant 0 : i32
    %c0_i32_1 = arith.constant 0 : i32
    return %arg0, %c0_i32, %c0_i32_0 : i32, i32, i32
  }
  func.func @transform_1(%arg0: i32) -> (i32, i32, i32) {
    %c0_i32 = arith.constant 0 : i32
    %c0_i32_0 = arith.constant 0 : i32
    %c0_i32_1 = arith.constant 0 : i32
    return %arg0, %c0_i32, %c0_i32_0 : i32, i32, i32
  }
  func.func @transform_2(%arg0: i32) -> (i32, i32, i32) {
    %c0_i32 = arith.constant 0 : i32
    %c0_i32_0 = arith.constant 0 : i32
    %c0_i32_1 = arith.constant 0 : i32
    return %arg0, %c0_i32, %c0_i32_0 : i32, i32, i32
  }
  func.func @transform_3(%arg0: i32) -> (i32, i32) {
    %c0_i32 = arith.constant 0 : i32
    %c0_i32_0 = arith.constant 0 : i32
    %c0_i32_1 = arith.constant 0 : i32
    return %c0_i32, %c0_i32_0 : i32, i32
  }
  func.func @transform_4(%arg0: i32) -> (i32, i32) {
    %c0_i32 = arith.constant 0 : i32
    %c0_i32_0 = arith.constant 0 : i32
    %c0_i32_1 = arith.constant 0 : i32
    return %c0_i32, %c0_i32_0 : i32, i32
  }
  func.func @transform_5(%arg0: i32) -> (i32, i32) {
    %c0_i32 = arith.constant 0 : i32
    %c0_i32_0 = arith.constant 0 : i32
    %c0_i32_1 = arith.constant 0 : i32
    return %c0_i32, %c0_i32_0 : i32, i32
  }
  func.func @transform_6(%arg0: i32) -> (i32, i32) {
    %c0_i32 = arith.constant 0 : i32
    %c0_i32_0 = arith.constant 0 : i32
    %c0_i32_1 = arith.constant 0 : i32
    return %c0_i32, %c0_i32_0 : i32, i32
  }
  func.func @transform_7(%arg0: i32) -> (i32, i32) {
    %c0_i32 = arith.constant 0 : i32
    %c0_i32_0 = arith.constant 0 : i32
    %c0_i32_1 = arith.constant 0 : i32
    return %c0_i32, %c0_i32_0 : i32, i32
  }
  func.func @transform_8(%arg0: i32) -> (i32, i32, i32) {
    %c0_i32 = arith.constant 0 : i32
    %c0_i32_0 = arith.constant 0 : i32
    %c0_i32_1 = arith.constant 0 : i32
    return %arg0, %c0_i32, %c0_i32_0 : i32, i32, i32
  }
}

</mosaic_0001>

<sc_bundles>
// kernel: kernel.5.cloned.1.call-start
scs
__scs_entry_jumppad:
0x0: {  	(pc) =	sbr.rel $0x88, $3  }
0x1: {  	(tag) =	ssettag $0x0;
	lr =	simm.s32 $0x1  }
0x2: {  	[smem:$0x3F95] =	sst lr;
	_ =	strace $0xD0000000  }
0x3: {  	_ = 	snop  }
0x4: {  	_ = 	snop  }
0x5: {  	_ = 	snop  }
0x6: {  	_ = 	snop  }
0x7: {  	_ = 	snop  }
__scs_overlays_trampoline_lowered:
0x8: {  	[smem:$0x3FA4] =	sst s0  }
0x9: {  	[smem:$0x3FA5] =	sst s1  }
0xa: {  	[smem:$0x3FA6] =	sst s2  }
0xb: {  	[smem:$0x3FA7] =	sst s3  }
0xc: {  	[smem:$0x3FA8] =	sst s4  }
0xd: {  	[smem:$0x3FA9] =	sst s5  }
0xe: {  	[smem:$0x3FAA] =	sst s6  }
0xf: {  	[smem:$0x3FAB] =	sst s7  }
0x10: {  	[smem:$0x3FAC] =	sst s8  }
0x11: {  	[smem:$0x3FAD] =	sst s9;
	s0 =	simm.s32 @!p0 $0x0  }
0x12: {  	s1 =	sld [smem:$0x3F93];
	s0 =	simm.s32 @p0 $0x1  }
0x13: {  	[smem:$0x3FAE] =	sst s0;
	s0 =	simm.s32 @!p1 $0x0  }
0x14: {  	s2 =	sld [smem:$0x3F92];
	s0 =	simm.s32 @p1 $0x1  }
0x15: {  	[smem:$0x3FAF] =	sst s0;
	s0 =	simm.s32 @!p2 $0x0  }
0x16: {  	s3 =	sld [smem:$0x3FDB];
	s0 =	simm.s32 @p2 $0x1  }
0x17: {  	s4 =	simm.s32 $0x1BF5;
	[smem:$0x3FB1] =	sst s0  }
0x18: {  	s0 =	sld [smem:$0x3F94];
	_ =	swait.ge [sflag:s4], $0x0  }
0x19: {  	s7 =	sld [smem:$0x3F95]  }
0x1a: {  	s8 =	sadd.s32 $0xFFFFE003, lr  }
0x1b: {  	s9 =	sadd.s32 $0xFFFFFEF7, lr;
	s5 =	simm.s32 $0xFFFFFFFF;
	p2 =	slt.u32 s8, $0xFFFFF086  }
0x1c: {  	p1 =	slt.u32 s9, $0xF7A;
	s5 =	simm.s32 @!p2 $0x0  }
0x1d: {  	s5 =	simm.s32 @p1 $0x1;
	p0 =	seq.s32 s7, s2  }
0x1e: {  	s7 =	smul.u32 @!p0 $0xF7A, s2;
	p2 =	seq.s32 @!p0 s5, $0x0  }
0x1f: {  	s9 =	smul.u32 $0xF7A, s1;
	s8 =	simm.s32 @!p0 $0x1BF5;
	p2 =	por !p2, p0  }
0x20: {  	[sflag:s8] =	ssyncset.s32 @!p0 $0xFFFFF086;
	s6 =	sadd.s32 @!p0 s3, s7;
	s7 =	simm.s32 @!p0 $0x108  }
0x21: {  	s3 =	sadd.s32 s3, s9;
	s6 =	sadd.s32 @!p0 $0x88, s6;
	s7 =	simm.s32 @p2 $0x1082  }
0x22: {  	[simem:s7], [sflag:s8] =	dma.local @!p0 [hbm:s6], $0xF7A  }
0x23: {  	s9 =	sor.u32 $0xD0000000, s2;
	s6 =	simm.s32 $0x108;
	_ =	swait.ge @!p0 [sflag:s8], $0x0  }
0x24: {  	s3 =	sadd.s32 $0x88, s3;
	s6 =	simm.s32 @!p1 $0x1082;
	[sflag:s4] =	ssyncset.s32 $0xFFFFF086  }
0x25: {  	[simem:s6], [sflag:s4] =	dma.local [hbm:s3], $0xF7A  }
0x26: {  	[smem:$0x3F95] =	sst s1;
	(tag) =	ssettag s2;
	_ =	strace s9  }
0x27: {  	s1 =	sld [smem:$0x3FA5]  }
0x28: {  	s2 =	sld [smem:$0x3FA6]  }
0x29: {  	s4 =	sld [smem:$0x3FA8]  }
0x2a: {  	p0 =	seq.s32 s5, $0x0;
	s5 =	sld [smem:$0x3FA9]  }
0x2b: {  	s6 =	sld [smem:$0x3FAA]  }
0x2c: {  	s7 =	sld [smem:$0x3FAB]  }
0x2d: {  	s3 =	simm.s32 $0x108;
	s8 =	sld [smem:$0x3FAC]  }
0x2e: {  	s3 =	simm.s32 @!p0 $0x1082;
	s9 =	sld [smem:$0x3FAD]  }
0x2f: {  	lr =	sadd.s32 s0, s3;
	s0 =	sld [smem:$0x3FA4]  }
0x30: {  	s3 =	sld [smem:$0x3FA7]  }
0x31: {  	[smem:$0x3FB0] =	sst s10  }
0x32: {  	s10 =	sld [smem:$0x3FAE];
	_ =	sdelay $0x3  }
0x33: {  	p0 =	seq.s32 s10, $0x1;
	s10 =	sld [smem:$0x3FB0];
	_ =	sdelay $0x3  }
0x34: {  	[smem:$0x3FB0] =	sst s10  }
0x35: {  	s10 =	sld [smem:$0x3FAF];
	_ =	sdelay $0x3  }
0x36: {  	p1 =	seq.s32 s10, $0x1;
	s10 =	sld [smem:$0x3FB0];
	_ =	sdelay $0x3  }
0x37: {  	[smem:$0x3FB0] =	sst s10  }
0x38: {  	s10 =	sld [smem:$0x3FB1]  }
0x39: {  	_ = 	snop;
	(pc) =	sbr.ind lr, $3  }
0x3a: {  	_ = 	snop  }
0x3b: {  	_ = 	snop  }
0x3c: {  	p2 =	seq.s32 s10, $0x1;
	s10 =	sld [smem:$0x3FB0]  }
0x3d: {  	_ =	shalt  }
0x3e: {  	_ =	shalt  }
0x3f: {  	_ =	shalt  }
0x40: {  	_ =	shalt  }
0x41: {  	_ =	shalt  }
0x42: {  	_ =	shalt  }
0x43: {  	_ =	shalt  }
0x44: {  	_ =	shalt  }
0x45: {  	_ =	shalt  }
0x46: {  	_ =	shalt  }
0x47: {  	_ =	shalt  }
0x48: {  	_ =	shalt  }
0x49: {  	_ =	shalt  }
0x4a: {  	_ =	shalt  }
0x4b: {  	_ =	shalt  }
0x4c: {  	_ =	shalt  }
0x4d: {  	_ =	shalt  }
0x4e: {  	_ =	shalt  }
0x4f: {  	_ =	shalt  }
0x50: {  	_ =	shalt  }
0x51: {  	_ =	shalt  }
0x52: {  	_ =	shalt  }
0x53: {  	_ =	shalt  }
0x54: {  	_ =	shalt  }
0x55: {  	_ =	shalt  }
0x56: {  	_ =	shalt  }
0x57: {  	_ =	shalt  }
0x58: {  	_ =	shalt  }
0x59: {  	_ =	shalt  }
0x5a: {  	_ =	shalt  }
0x5b: {  	_ =	shalt  }
0x5c: {  	_ =	shalt  }
0x5d: {  	_ =	shalt  }
0x5e: {  	_ =	shalt  }
0x5f: {  	_ =	shalt  }
0x60: {  	_ =	shalt  }
0x61: {  	_ =	shalt  }
0x62: {  	_ =	shalt  }
0x63: {  	_ =	shalt  }
0x64: {  	_ =	shalt  }
0x65: {  	_ =	shalt  }
0x66: {  	_ =	shalt  }
0x67: {  	_ =	shalt  }
0x68: {  	_ =	shalt  }
0x69: {  	_ =	shalt  }
0x6a: {  	_ =	shalt  }
0x6b: {  	_ =	shalt  }
0x6c: {  	_ =	shalt  }
0x6d: {  	_ =	shalt  }
0x6e: {  	_ =	shalt  }
0x6f: {  	_ =	shalt  }
0x70: {  	_ =	shalt  }
0x71: {  	_ =	shalt  }
0x72: {  	_ =	shalt  }
0x73: {  	_ =	shalt  }
0x74: {  	_ =	shalt  }
0x75: {  	_ =	shalt  }
0x76: {  	_ =	shalt  }
0x77: {  	_ =	shalt  }
0x78: {  	_ =	shalt  }
0x79: {  	_ =	shalt  }
0x7a: {  	_ =	shalt  }
0x7b: {  	_ =	shalt  }
0x7c: {  	_ =	shalt  }
0x7d: {  	_ =	shalt  }
0x7e: {  	_ =	shalt  }
0x7f: {  	_ =	shalt  }
0x80: {  	_ =	shalt  }
0x81: {  	_ =	shalt  }
0x82: {  	_ =	shalt  }
0x83: {  	_ =	shalt  }
0x84: {  	_ =	shalt  }
0x85: {  	_ =	shalt  }
0x86: {  	_ =	shalt  }
0x87: {  	_ =	shalt  }
.Lfunc_end0:
.L_simem_size_0:
called_computation_lowered:
.L_overlay_start_0:
0x88: {  	s2 =	sld [smem:$0x3FD9]  }
0x89: {  	s3 =	sld [smem:$0x3FFE];
	_ =	sdelay $0x1  }
0x8a: {  	s1 =	srdreg.scid  }
0x8b: {  	s0 =	sand.u32 $0x1, s1  }
0x8c: {  	s17 =	sshll.u32 s0, $0xA;
	s2 =	sadd.s32 s3, s2  }
0x8d: {  	s2 =	sadd.s32 s2, s17  }
0x8e: {  	[smem:$0x3FBC] =	sst s2  }
0x8f: {  	_ = 	snop  }
0x90: {  	s2 =	sld [smem:$0x3FD0];
	(tm) =	ssettm $0x1  }
0x91: {  	s18 =	sld [smem:$0x3FFB];
	_ =	sdelay $0x3  }
0x92: {  	_ =	strace s18  }
0x93: {  	s3 =	sld [smem:$0x3FFC];
	_ =	sdelay $0x3  }
0x94: {  	_ =	strace s3  }
0x95: {  	s3 =	sld [smem:$0x3FFD];
	_ =	sdelay $0x3  }
0x96: {  	_ =	strace s3  }
0x97: {  	_ =	strace $0x8FFFFFFF  }
0x98: {  	s19 =	sld [smem:$0x3FDB];
	_ =	sdelay $0x1  }
0x99: {  	s4 =	simm.s32 $_scs_section_size  }
0x9a: {  	s5 =	simm.s32 $_size__tile_overlayer_lowered;
	s6 =	simm.s32 $_tile_overlayer_lowered  }
0x9b: {  	s22 =	simm.s32 $0x1BFF;
	s21 =	sshll.u32 s6, $0x1;
	s3 =	sadd.s32 s4, s19  }
0x9c: {  	s7 =	simm.s32 $0x0;
	s20 =	sshll.u32 s5, $0x1;
	s5 =	sadd.s32 s21, s3  }
0x9d: {  	[timem:s7], [sflag:s22] =	dma.local [hbm:s5], s20  }
0x9e: {  	_ =	swait.ge [sflag:s22], s20  }
0x9f: {  	s4 =	ssub.s32 $0x0, s20;
	[sflag:s22] =	ssyncset.done $0x0  }
0xa0: {  	[sflag:s22] =	ssyncadd.s32 s4;
	_ =	sdelay $0x1  }
0xa1: {  	s23 =	simm.s32 $0x1B8B  }
0xa2: {  	_ =	swait.ge [sflag:s23], $0x1  }
0xa3: {  	[sflag:s23] =	ssyncset.done $0x0  }
0xa4: {  	s25 =	simm.s32 $0x1B8E;
	s24 =	sld [smem:$0x3FFE];
	[sflag:s23] =	ssyncadd.s32 $0xFFFFFFFF  }
0xa5: {  	s26 =	simm.s32 $execute0_lowered;
	[smem:$0x3FD2] =	sst s25  }
0xa6: {  	s5 =	sshll.u32 s26, $0x1;
	_ =	strace $0x80000046;
	[dreg:$0x1] =	wrdreg $0xFFFFFFFF  }
0xa7: {  	s28 =	simm.s32 $_size_execute0_lowered;
	s3 =	sadd.s32 s3, s5;
	[dreg:$0x0] =	wrdreg $0x0  }
0xa8: {  	s5 =	sshll.u32 s28, $0x1;
	[dreg:$0x2] =	wrdreg s3  }
0xa9: {  	[dreg:$0x3] =	wrdreg s5  }
0xaa: {  	[dreg:$0x4] =	wrdreg $0xC0  }
0xab: {  	_ =	task [dreg:s7], $0x5FFFF  }
0xac: {  	[dreg:$0x1] =	wrdreg $0xFFFFFFFF  }
0xad: {  	[dreg:$0x0] =	wrdreg $0x60  }
0xae: {  	[dreg:$0x2] =	wrdreg s24  }
0xaf: {  	[dreg:$0x3] =	wrdreg s2  }
0xb0: {  	[dreg:$0x4] =	wrdreg $0x9  }
0xb1: {  	_ =	task.clear_ibuf [dreg:s7], $0x5FFFF;
	_ =	strace $0x90000046  }
0xb2: {  	s29 =	simm.s32 $0x9;
	_ =	strace $0x80000048  }
0xb3: {  	_ =	swait.ge [sflag:s29], $0x1  }
0xb4: {  	[sflag:s29] =	ssyncadd.s32 $0xFFFFFFFF  }
0xb5: {  	_ =	strace $0x90000048  }
0xb6: {  	_ =	sfence  }
0xb7: {  	s30 =	sld [smem:$0x0];
	_ =	sdelay $0x2  }
0xb8: {  	s31 =	sshll.u32 s1, $0xD;
	s1 =	sshrl.u32 s1, $0x2  }
0xb9: {  	s3 =	sand.u32 $0x4000, s31;
	s1 =	sadd.s32 s1, s30  }
0xba: {  	s0 =	sor.u32 s3, s0;
	s1 =	sshll.u32 s1, $0x11  }
0xbb: {  	s0 =	sor.u32 s1, s0  }
0xbc: {  	s0 =	sadd.s32 $0x8F2B, s0  }
0xbd: {  	[sflag:s0] =	ssyncadd.remote.s32 $0x1  }
0xbe: {  	_ =	sfence.sel $0xFFFF  }
0xbf: {  	[dreg:$0x0] =	wrdreg $0xFFFFFFFF;
	(pc) =	sbr.abs _section_cstart, $3  }
0xc0: {  	[dreg:$0x1] =	wrdreg $0xFFFFFFFF  }
0xc1: {  	_ =	task.clear_ibuf [dreg:s7], $0x2FFFF;
	_ =	strace $0x9FFFFFFF  }
0xc2: {  	(tm) =	ssettm $0x7FFFFFFF  }
0xc3: {  	_ =	shalt  }
tec
execute0_lowered:
.L_overlay_start_1:
0x0: {  	(tag) =	ssettag $0x1  }
0x1: {  	s1 =	srdreg.scid  }
0x2: {  	s10 =	rddreg [dreg:$0x0];
	s0 =	stileid.u32;
	s11 =	sand.u32 $0x1, s1  }
0x3: {  	s3 =	rddreg [dreg:$0x1];
	s4 =	sshll.u32 s0, $0x9;
	s5 =	sshll.u32 s11, $0x8  }
0x4: {  	s2 =	simm.s32 $0x0;
	s1 =	rddreg [dreg:$0x2];
	s12 =	sor.u32 s5, s4  }
0x5: {  	[smem:$0x7FF] =	sst s2;
	s4 =	sshrl.u32 s12, $0x3  }
0x6: {  	_ =	strace $0x80000047;
	s4 =	sadd.s32 s3, s4;
	s3 =	simm.s32 $0x2  }
0x7: {  	[tilespmem:s2], [sflag:$0x2] =	stream.linear.gather [hbm4b:s4+s2], $0x100, $0x38;
	[tilespmem:$0x8100] =	vst v63  }
0x8: {  	_ =	swait.ge [sflag:s3], $0x100  }
0x9: {  	s6 =	simm.s32 $0x80;
	[sflag:s3] =	ssyncset.done $0x0  }
0xa: {  	s7 =	simm.s32 $0x100;
	s5 =	sadd.s32 $0x182200, s10;
	[sflag:s3] =	ssyncadd.s32 $0xFFFFFF00  }
0xb: {  	[tilespmem:s7], [sflag:$0x1] =	stream.indirect.gather [hbm4b:s5+s6], $0x80, s2, s6, $0xb8;
	[tilespmem:$0x8100] =	vst v63  }
0xc: {  	s8 =	simm.s32 $0x4100;
	s9 =	simm.s32 $0x1;
	s11 =	ssub.s32 $0x2, s11  }
0xd: {  	[tilespmem:s8], [sflag:$0x1] =	stream.indirect.gather [hbm4b:s5+s6], $0x80, s6, s6, $0xb8;
	[tilespmem:$0x8100] =	vst v63  }
0xe: {  	s13 =	sshrl.u32 s11, $0x1;
	_ =	swait.ge [sflag:s9], $0x4000  }
0xf: {  	s11 =	ssub.s32 s11, s13;
	[sflag:s9] =	ssyncset.done $0x0  }
0x10: {  	s11 =	smax.u32 s11, $0x1;
	[sflag:s9] =	ssyncadd.s32 $0xFFFFC000  }
0x11: {  	s12 =	sshll.u32 s12, $0x4;
	p0 =	sne.s32 s11, $0x1;
	_ =	swait.ge [sflag:s9], $0x4000  }
.Ltmp0:
0x12: {  	s10 =	sadd.s32 s12, s10;
	[sflag:s9] =	ssyncset.done $0x0;
	(pc) =	sbr.rel @!p0 .LBB2_2-.Ltmp0, $4  }
0x13: {  	s10 =	sadd.s32 $0x2200, s10;
	[sflag:s9] =	ssyncadd.s32 $0xFFFFC000  }
0x14: {  	[hbm4b:s10+s2] =	stream.linear.scatter [tilespmem:s7], [sflag:$0x2], $0x8000, $0x38;
	[tilespmem:$0x8100] =	vst v63  }
0x15: {  	_ =	swait.ge [sflag:s3], $0x8000  }
0x16: {  	s11 =	sadd.s32 $0xFFFFFFFF, s11;
	[sflag:s3] =	ssyncset.done $0x0  }
.LBB2_1:
0x17: {  	p0 =	sne.s32 s11, $0x1;
	s11 =	sadd.s32 $0xFFFFFFFF, s11;
	[sflag:s3] =	ssyncadd.s32 $0xFFFF8000  }
0x18: {  	[tilespmem:s2], [sflag:$0x2] =	stream.linear.gather [hbm4b:s4+s2], $0x100, $0x38;
	[tilespmem:$0x8100] =	vst v63  }
0x19: {  	_ =	swait.ge [sflag:s3], $0x100  }
0x1a: {  	[sflag:s3] =	ssyncset.done $0x0  }
0x1b: {  	[sflag:s3] =	ssyncadd.s32 $0xFFFFFF00  }
0x1c: {  	[tilespmem:s7], [sflag:$0x1] =	stream.indirect.gather [hbm4b:s5+s6], $0x80, s2, s6, $0xb8;
	[tilespmem:$0x8100] =	vst v63  }
0x1d: {  	_ = 	snop  }
0x1e: {  	[tilespmem:s8], [sflag:$0x1] =	stream.indirect.gather [hbm4b:s5+s6], $0x80, s6, s6, $0xb8;
	[tilespmem:$0x8100] =	vst v63  }
0x1f: {  	_ =	swait.ge [sflag:s9], $0x4000  }
0x20: {  	[sflag:s9] =	ssyncset.done $0x0  }
0x21: {  	[sflag:s9] =	ssyncadd.s32 $0xFFFFC000  }
0x22: {  	_ =	swait.ge [sflag:s9], $0x4000  }
.Ltmp1:
0x23: {  	[sflag:s9] =	ssyncset.done $0x0;
	(pc) =	sbr.rel @p0 .LBB2_1-.Ltmp1, $4  }
0x24: {  	[sflag:s9] =	ssyncadd.s32 $0xFFFFC000  }
0x25: {  	[hbm4b:s10+s2] =	stream.linear.scatter [tilespmem:s7], [sflag:$0x2], $0x8000, $0x38;
	[tilespmem:$0x8100] =	vst v63  }
0x26: {  	_ =	swait.ge [sflag:s3], $0x8000  }
0x27: {  	[sflag:s3] =	ssyncset.done $0x0  }
.LBB2_2:
0x28: {  	[sflag:s3] =	ssyncadd.s32 $0xFFFF8000  }
0x29: {  	_ =	sfence.sel $0x180000  }
0x2a: {  	[bflag:$0x0] =	sbarrier.arrive $0xFFFF  }
0x2b: {  	p0 =	sne.s32 s0, $0x0;
	_ =	strace $0x90000047  }
0x2c: {  	s0 =	sadd.s32 @!p0 $0x100000, s1;
	[bflag:$0x2] =	sbarrier.arrive $0xFFFF  }
0x2d: {  	[sflag:s0] =	ssyncadd.tile.s32 @!p0 $0x1;
	_ =	shalt  }
.Lfunc_end2:
_tile_overlayer_lowered:
.L_overlay_start_2:
0x2e: {  	(tag) =	ssettag $0x2  }
0x2f: {  	s0 =	rddreg [dreg:$0x0];
	s2 =	stileid.u32  }
0x30: {  	s1 =	rddreg [dreg:$0x1];
	p0 =	sne.s32 s2, $0x0  }
0x31: {  	s3 =	rddreg [dreg:$0x2];
	[bflag:$0x3] =	sbarrier.arrive $0xFFFF;
	s2 =	simm.s32 @!p0 $0x1C02  }
0x32: {  	[timem:s3], [sflag:s2] =	dma.local @!p0 [hbm:s0], s1  }
0x33: {  	s0 =	simm.s32 @!p0 $0x2  }
0x34: {  	_ =	swait.ge @!p0 [sflag:s0], s1  }
0x35: {  	s1 =	ssub.s32 @!p0 $0x0, s1;
	[sflag:s0] =	ssyncset.done @!p0 $0x0  }
0x36: {  	[sflag:s0] =	ssyncadd.s32 @!p0 s1  }
0x37: {  	[bflag:$0x3] =	sbarrier.arrive $0xFFFF  }
0x38: {  	_ =	shalt  }

</sc_bundles>
